<compile_context>
chip_gen: v7x
topology: tpu7x:2x2x1
jax: 0.10.2.dev20260603
libtpu: 0.0.44.dev20260713+nightly
codegen_flags: <defaults>
</compile_context>

<pallas_src>
import functools

import jax
import jax.numpy as jnp
from jax import lax
from jax.experimental import pallas as pl
from jax.experimental.pallas import tpu as pltpu
from jax.experimental.pallas import tpu_sc as plsc

D_MODEL = 128
NUM_CORES = 2
NUM_SUBCORES = 16
NUM_WORKERS = NUM_CORES * NUM_SUBCORES
CHUNK = 128
NBUF = 4


@functools.cache
def _build(n_rows, n_status):
    assert n_rows % (NUM_WORKERS * CHUNK) == 0
    rows_per_w = n_rows // NUM_WORKERS
    n_chunks = rows_per_w // CHUNK
    assert n_chunks > NBUF and (n_chunks - NBUF) % NBUF == 0

    mesh = plsc.VectorSubcoreMesh(core_axis_name="c", subcore_axis_name="s")

    @functools.partial(
        pl.kernel,
        mesh=mesh,
        out_type=jax.ShapeDtypeStruct((n_rows, D_MODEL), jnp.float32),
        scratch_types=[
            pltpu.VMEM((n_chunks, CHUNK), jnp.int32),
            pltpu.VMEM_SHARED((n_status, D_MODEL), jnp.float32),
            pltpu.VMEM((NBUF, CHUNK, D_MODEL), jnp.float32),
            pltpu.SemaphoreType.DMA,
            pltpu.SemaphoreType.DMA,
        ],
    )
    def lookup(ids_hbm, table_hbm, out_hbm, idx_v, table_sh, rows_v, gsem,
               osem):
        wid = lax.axis_index("s") * NUM_CORES + lax.axis_index("c")
        row0 = wid * rows_per_w

        pltpu.sync_copy(ids_hbm.at[pl.ds(wid * n_chunks, n_chunks)], idx_v)

        @pl.when(lax.axis_index("s") == 0)
        def _():
            pltpu.sync_copy(table_hbm, table_sh)

        plsc.subcore_barrier()

        def start_gather(g, b):
            pltpu.async_copy(table_sh.at[idx_v.at[g]], rows_v.at[b], gsem)

        def wait_gather(b):
            pltpu.make_async_copy(
                table_sh.at[idx_v.at[0]], rows_v.at[b], gsem).wait()

        def start_out(g, b):
            pltpu.async_copy(
                rows_v.at[b], out_hbm.at[pl.ds(row0 + g * CHUNK, CHUNK)], osem)

        def wait_out(b):
            pltpu.make_async_copy(
                rows_v.at[b], out_hbm.at[pl.ds(row0, CHUNK)], osem).wait()

        for b in range(NBUF):
            start_gather(b, b)

        def body(i, carry):
            for b in range(NBUF):
                g = i * NBUF + b
                wait_gather(b)
                start_out(g, b)
                wait_out(b)
                start_gather(g + NBUF, b)
            return carry

        lax.fori_loop(0, (n_chunks - NBUF) // NBUF, body, 0, unroll=False)

        for b in range(NBUF):
            wait_gather(b)
            start_out(n_chunks - NBUF + b, b)
        for b in range(NBUF):
            wait_out(b)

    return lookup


def kernel(status_ids, table):
    batch, max_nodes = status_ids.shape
    n_rows = batch * max_nodes
    ids_flat = status_ids.astype(jnp.int32).reshape(
        NUM_WORKERS * (n_rows // (NUM_WORKERS * CHUNK)), CHUNK)
    out = _build(n_rows, table.shape[0])(ids_flat, table)
    return out.reshape(batch, max_nodes, table.shape[1])

# --- scband reference (transcript-rebuilt; emitter-appended) ---
"""Pipeline reference for scband-status-encoder-44178033607019 (READ-ONLY COPY).

The authoritative reference and input builder live on the scoring server;
editing this copy changes nothing except your own understanding.
"""

import jax, jax.numpy as jnp
import numpy as np

D_MODEL = 128
NUM_STATUS = 4
BATCH = 4096
MAX_NODES = 200


def setup_inputs(seed: int = 0) -> dict:
    key = jax.random.key(seed)
    k1, k2 = jax.random.split(key)
    status_ids = jax.random.randint(k1, (BATCH, MAX_NODES), 0, NUM_STATUS, dtype=jnp.int64 if jax.config.jax_enable_x64 else jnp.int32)
    # nn.Embedding default init: N(0, 1)
    table = jax.random.normal(k2, (NUM_STATUS, D_MODEL), dtype=jnp.float32)
    return {"status_ids": status_ids, "table": table}


def reference(status_ids, table):
    # nn.Embedding lookup -> gather rows of the table
    return jnp.take(table, status_ids, axis=0)

if __name__ == "__main__":
    import jax
    _d = setup_inputs()
    print(jax.jit(kernel)(*tuple(_d.values())))

</pallas_src>

<mosaic_0001>
#map = affine_map<(d0, d1) -> (0, 0)>
module attributes {stable_mosaic.version = 14 : i64} {
  func.func @lookup(%arg0: i32, %arg1: i32, %arg2: memref<6400x128xi32, #tpu.memory_space<hbm>>, %arg3: memref<4x128xf32, #tpu.memory_space<hbm>>, %arg4: memref<819200x128xf32, #tpu.memory_space<hbm>>, %arg5: memref<200x128xi32, #tpu.memory_space<vmem>>, %arg6: memref<4x128xf32, #tpu.memory_space<vmem_shared>>, %arg7: memref<4x128x128xf32, #tpu.memory_space<vmem>>, %arg8: memref<!tpu.dma_semaphore, #tpu.memory_space<semaphore_mem>>, %arg9: memref<!tpu.dma_semaphore, #tpu.memory_space<semaphore_mem>>) attributes {dimension_semantics = [#tpu.dimension_semantics<core_parallel>, #tpu.dimension_semantics<subcore_parallel>], iteration_bounds = array<i64: 2, 16>, scalar_prefetch = 0 : i64, scratch_operands = 5 : i64, tpu.core_type = #tpu.core_type<sc_vector_subcore>, window_params = [{transform_indices = #map}, {transform_indices = #map}, {transform_indices = #map}]} {
    %mul3A = arith.constant 2 : i32
    %mul3A_0 = arith.muli %arg1, %mul3A : i32
    %add3A = arith.addi %mul3A_0, %arg0 : i32
    %mul3A_1 = arith.constant 25600 : i32
    %mul3A_2 = arith.muli %add3A, %mul3A_1 : i32
    %mul3A_3 = arith.constant 200 : i32
    %mul3A_4 = arith.muli %add3A, %mul3A_3 : i32
    "tpu.region"() ({
      %run_scoped3A = tpu.sem_alloc : memref<!tpu.dma_semaphore, #tpu.memory_space<semaphore_mem>>
      %dma_start3A_218 = arith.constant 0 : i32
      %dma_start3A_219 = tpu.memref_slice %arg2[%mul3A_4, %dma_start3A_218] : memref<6400x128xi32, #tpu.memory_space<hbm>> -> memref<200x128xi32, #tpu.memory_space<hbm>>
      %dma_start3A_220 = arith.constant 0 : i32
      %dma_start3A_221 = tpu.memref_slice %arg2[%mul3A_4, %dma_start3A_220] : memref<6400x128xi32, #tpu.memory_space<hbm>> -> memref<200x128xi32, #tpu.memory_space<hbm>>
      tpu.enqueue_dma source(%dma_start3A_221 : memref<200x128xi32, #tpu.memory_space<hbm>>) target(%arg5 : memref<200x128xi32, #tpu.memory_space<vmem>>) target_semaphore(%run_scoped3A : memref<!tpu.dma_semaphore, #tpu.memory_space<semaphore_mem>>)
      %dma_wait3A_222 = arith.constant 0 : i32
      %dma_wait3A_223 = tpu.memref_slice %arg2[%mul3A_4, %dma_wait3A_222] : memref<6400x128xi32, #tpu.memory_space<hbm>> -> memref<200x128xi32, #tpu.memory_space<hbm>>
      %dma_wait3A_224 = arith.constant 0 : i32
      %dma_wait3A_225 = tpu.memref_slice %arg2[%mul3A_4, %dma_wait3A_224] : memref<6400x128xi32, #tpu.memory_space<hbm>> -> memref<200x128xi32, #tpu.memory_space<hbm>>
      tpu.wait_dma2 semaphore(%run_scoped3A : memref<!tpu.dma_semaphore, #tpu.memory_space<semaphore_mem>>) src(%dma_wait3A_225 : memref<200x128xi32, #tpu.memory_space<hbm>>) dst(%arg5 : memref<200x128xi32, #tpu.memory_space<vmem>>)
      tpu.yield
    }) : () -> ()
    %eq3A = arith.constant 0 : i32
    %eq3A_5 = arith.cmpi eq, %arg1, %eq3A : i32
    %convert_element_type3A = arith.extui %eq3A_5 : i1 to i32
    %cond3A = arith.constant 0 : i32
    %cond3A_6 = arith.cmpi ne, %convert_element_type3A, %cond3A : i32
    scf.if %cond3A_6 {
      "tpu.region"() ({
        %run_scoped3A = tpu.sem_alloc : memref<!tpu.dma_semaphore, #tpu.memory_space<semaphore_mem>>
        tpu.enqueue_dma source(%arg3 : memref<4x128xf32, #tpu.memory_space<hbm>>) target(%arg6 : memref<4x128xf32, #tpu.memory_space<vmem_shared>>) target_semaphore(%run_scoped3A : memref<!tpu.dma_semaphore, #tpu.memory_space<semaphore_mem>>)
        tpu.wait_dma2 semaphore(%run_scoped3A : memref<!tpu.dma_semaphore, #tpu.memory_space<semaphore_mem>>) src(%arg3 : memref<4x128xf32, #tpu.memory_space<hbm>>) dst(%arg6 : memref<4x128xf32, #tpu.memory_space<vmem_shared>>)
        tpu.yield
      }) : () -> ()
    } else {
    }
    %barrier3A = arith.constant 0 : index
    tpu.barrier barrier_id(%barrier3A)
    %dma_start3A = arith.constant 0 : i32
    %dma_start3A_7 = arith.constant 0 : i32
    %dma_start3A_8 = arith.constant 0 : i32
    %dma_start3A_9 = arith.constant 0 : i32
    %dma_start3A_10 = tpu.memref_slice %arg7[%dma_start3A_7, %dma_start3A_8, %dma_start3A_9] : memref<4x128x128xf32, #tpu.memory_space<vmem>> -> memref<1x128x128xf32, #tpu.memory_space<vmem>>
    %dma_start3A_11 = tpu.memref_squeeze %dma_start3A_10 : memref<1x128x128xf32, #tpu.memory_space<vmem>> -> memref<128x128xf32, #tpu.memory_space<vmem>>
    %dma_start3A_12 = arith.constant 0 : i32
    %dma_start3A_13 = tpu.memref_slice %arg5[%dma_start3A, %dma_start3A_12] : memref<200x128xi32, #tpu.memory_space<vmem>> -> memref<1x128xi32, #tpu.memory_space<vmem>>
    %dma_start3A_14 = tpu.memref_squeeze %dma_start3A_13 : memref<1x128xi32, #tpu.memory_space<vmem>> -> memref<128xi32, #tpu.memory_space<vmem>>
    %dma_start3A_15 = arith.constant 0 : i32
    %dma_start3A_16 = arith.constant 0 : i32
    %dma_start3A_17 = tpu.memref_slice %arg6[%dma_start3A_15, %dma_start3A_16] : memref<4x128xf32, #tpu.memory_space<vmem_shared>> -> memref<4x128xf32, #tpu.memory_space<vmem_shared>>
    tpu.enqueue_indirect_dma source(%dma_start3A_17 : memref<4x128xf32, #tpu.memory_space<vmem_shared>>) target(%dma_start3A_11 : memref<128x128xf32, #tpu.memory_space<vmem>>) offsets(%dma_start3A_14 : memref<128xi32, #tpu.memory_space<vmem>>) semaphore(%arg8 : memref<!tpu.dma_semaphore, #tpu.memory_space<semaphore_mem>>)
    %dma_start3A_18 = arith.constant 1 : i32
    %dma_start3A_19 = arith.constant 1 : i32
    %dma_start3A_20 = arith.constant 0 : i32
    %dma_start3A_21 = arith.constant 0 : i32
    %dma_start3A_22 = tpu.memref_slice %arg7[%dma_start3A_19, %dma_start3A_20, %dma_start3A_21] : memref<4x128x128xf32, #tpu.memory_space<vmem>> -> memref<1x128x128xf32, #tpu.memory_space<vmem>>
    %dma_start3A_23 = tpu.memref_squeeze %dma_start3A_22 : memref<1x128x128xf32, #tpu.memory_space<vmem>> -> memref<128x128xf32, #tpu.memory_space<vmem>>
    %dma_start3A_24 = arith.constant 0 : i32
    %dma_start3A_25 = tpu.memref_slice %arg5[%dma_start3A_18, %dma_start3A_24] : memref<200x128xi32, #tpu.memory_space<vmem>> -> memref<1x128xi32, #tpu.memory_space<vmem>>
    %dma_start3A_26 = tpu.memref_squeeze %dma_start3A_25 : memref<1x128xi32, #tpu.memory_space<vmem>> -> memref<128xi32, #tpu.memory_space<vmem>>
    %dma_start3A_27 = arith.constant 0 : i32
    %dma_start3A_28 = arith.constant 0 : i32
    %dma_start3A_29 = tpu.memref_slice %arg6[%dma_start3A_27, %dma_start3A_28] : memref<4x128xf32, #tpu.memory_space<vmem_shared>> -> memref<4x128xf32, #tpu.memory_space<vmem_shared>>
    tpu.enqueue_indirect_dma source(%dma_start3A_29 : memref<4x128xf32, #tpu.memory_space<vmem_shared>>) target(%dma_start3A_23 : memref<128x128xf32, #tpu.memory_space<vmem>>) offsets(%dma_start3A_26 : memref<128xi32, #tpu.memory_space<vmem>>) semaphore(%arg8 : memref<!tpu.dma_semaphore, #tpu.memory_space<semaphore_mem>>)
    %dma_start3A_30 = arith.constant 2 : i32
    %dma_start3A_31 = arith.constant 2 : i32
    %dma_start3A_32 = arith.constant 0 : i32
    %dma_start3A_33 = arith.constant 0 : i32
    %dma_start3A_34 = tpu.memref_slice %arg7[%dma_start3A_31, %dma_start3A_32, %dma_start3A_33] : memref<4x128x128xf32, #tpu.memory_space<vmem>> -> memref<1x128x128xf32, #tpu.memory_space<vmem>>
    %dma_start3A_35 = tpu.memref_squeeze %dma_start3A_34 : memref<1x128x128xf32, #tpu.memory_space<vmem>> -> memref<128x128xf32, #tpu.memory_space<vmem>>
    %dma_start3A_36 = arith.constant 0 : i32
    %dma_start3A_37 = tpu.memref_slice %arg5[%dma_start3A_30, %dma_start3A_36] : memref<200x128xi32, #tpu.memory_space<vmem>> -> memref<1x128xi32, #tpu.memory_space<vmem>>
    %dma_start3A_38 = tpu.memref_squeeze %dma_start3A_37 : memref<1x128xi32, #tpu.memory_space<vmem>> -> memref<128xi32, #tpu.memory_space<vmem>>
    %dma_start3A_39 = arith.constant 0 : i32
    %dma_start3A_40 = arith.constant 0 : i32
    %dma_start3A_41 = tpu.memref_slice %arg6[%dma_start3A_39, %dma_start3A_40] : memref<4x128xf32, #tpu.memory_space<vmem_shared>> -> memref<4x128xf32, #tpu.memory_space<vmem_shared>>
    tpu.enqueue_indirect_dma source(%dma_start3A_41 : memref<4x128xf32, #tpu.memory_space<vmem_shared>>) target(%dma_start3A_35 : memref<128x128xf32, #tpu.memory_space<vmem>>) offsets(%dma_start3A_38 : memref<128xi32, #tpu.memory_space<vmem>>) semaphore(%arg8 : memref<!tpu.dma_semaphore, #tpu.memory_space<semaphore_mem>>)
    %dma_start3A_42 = arith.constant 3 : i32
    %dma_start3A_43 = arith.constant 3 : i32
    %dma_start3A_44 = arith.constant 0 : i32
    %dma_start3A_45 = arith.constant 0 : i32
    %dma_start3A_46 = tpu.memref_slice %arg7[%dma_start3A_43, %dma_start3A_44, %dma_start3A_45] : memref<4x128x128xf32, #tpu.memory_space<vmem>> -> memref<1x128x128xf32, #tpu.memory_space<vmem>>
    %dma_start3A_47 = tpu.memref_squeeze %dma_start3A_46 : memref<1x128x128xf32, #tpu.memory_space<vmem>> -> memref<128x128xf32, #tpu.memory_space<vmem>>
    %dma_start3A_48 = arith.constant 0 : i32
    %dma_start3A_49 = tpu.memref_slice %arg5[%dma_start3A_42, %dma_start3A_48] : memref<200x128xi32, #tpu.memory_space<vmem>> -> memref<1x128xi32, #tpu.memory_space<vmem>>
    %dma_start3A_50 = tpu.memref_squeeze %dma_start3A_49 : memref<1x128xi32, #tpu.memory_space<vmem>> -> memref<128xi32, #tpu.memory_space<vmem>>
    %dma_start3A_51 = arith.constant 0 : i32
    %dma_start3A_52 = arith.constant 0 : i32
    %dma_start3A_53 = tpu.memref_slice %arg6[%dma_start3A_51, %dma_start3A_52] : memref<4x128xf32, #tpu.memory_space<vmem_shared>> -> memref<4x128xf32, #tpu.memory_space<vmem_shared>>
    tpu.enqueue_indirect_dma source(%dma_start3A_53 : memref<4x128xf32, #tpu.memory_space<vmem_shared>>) target(%dma_start3A_47 : memref<128x128xf32, #tpu.memory_space<vmem>>) offsets(%dma_start3A_50 : memref<128xi32, #tpu.memory_space<vmem>>) semaphore(%arg8 : memref<!tpu.dma_semaphore, #tpu.memory_space<semaphore_mem>>)
    %scan3A = arith.constant 0 : i32
    %scan3A_54 = arith.constant 0 : i32
    %scan3A_55 = arith.constant 49 : i32
    %scan3A_56 = arith.addi %scan3A_54, %scan3A_55 : i32
    %scan3A_57 = arith.constant 1 : i32
    scf.for %scan3A_218 = %scan3A_54 to %scan3A_56 step %scan3A_57  : i32 {
      %mul3A_219 = arith.constant 4 : i32
      %mul3A_220 = arith.muli %scan3A_218, %mul3A_219 : i32
      %add3A_221 = arith.constant 0 : i32
      %add3A_222 = arith.addi %mul3A_220, %add3A_221 : i32
      %dma_wait3A_223 = arith.constant 0 : i32
      %dma_wait3A_224 = arith.constant 0 : i32
      %dma_wait3A_225 = arith.constant 0 : i32
      %dma_wait3A_226 = arith.constant 0 : i32
      %dma_wait3A_227 = tpu.memref_slice %arg7[%dma_wait3A_224, %dma_wait3A_225, %dma_wait3A_226] : memref<4x128x128xf32, #tpu.memory_space<vmem>> -> memref<1x128x128xf32, #tpu.memory_space<vmem>>
      %dma_wait3A_228 = tpu.memref_squeeze %dma_wait3A_227 : memref<1x128x128xf32, #tpu.memory_space<vmem>> -> memref<128x128xf32, #tpu.memory_space<vmem>>
      %dma_wait3A_229 = arith.constant 0 : i32
      %dma_wait3A_230 = tpu.memref_slice %arg5[%dma_wait3A_223, %dma_wait3A_229] : memref<200x128xi32, #tpu.memory_space<vmem>> -> memref<1x128xi32, #tpu.memory_space<vmem>>
      %dma_wait3A_231 = tpu.memref_squeeze %dma_wait3A_230 : memref<1x128xi32, #tpu.memory_space<vmem>> -> memref<128xi32, #tpu.memory_space<vmem>>
      %dma_wait3A_232 = arith.constant 0 : i32
      %dma_wait3A_233 = arith.constant 0 : i32
      %dma_wait3A_234 = tpu.memref_slice %arg6[%dma_wait3A_232, %dma_wait3A_233] : memref<4x128xf32, #tpu.memory_space<vmem_shared>> -> memref<4x128xf32, #tpu.memory_space<vmem_shared>>
      tpu.wait_indirect_dma semaphore(%arg8 : memref<!tpu.dma_semaphore, #tpu.memory_space<semaphore_mem>>) src(%dma_wait3A_234 : memref<4x128xf32, #tpu.memory_space<vmem_shared>>) dst(%dma_wait3A_228 : memref<128x128xf32, #tpu.memory_space<vmem>>)
      %mul3A_235 = arith.constant 128 : i32
      %mul3A_236 = arith.muli %add3A_222, %mul3A_235 : i32
      %add3A_237 = arith.addi %mul3A_2, %mul3A_236 : i32
      %dma_start3A_238 = arith.constant 0 : i32
      %dma_start3A_239 = arith.constant 0 : i32
      %dma_start3A_240 = arith.constant 0 : i32
      %dma_start3A_241 = tpu.memref_slice %arg7[%dma_start3A_238, %dma_start3A_239, %dma_start3A_240] : memref<4x128x128xf32, #tpu.memory_space<vmem>> -> memref<1x128x128xf32, #tpu.memory_space<vmem>>
      %dma_start3A_242 = tpu.memref_squeeze %dma_start3A_241 : memref<1x128x128xf32, #tpu.memory_space<vmem>> -> memref<128x128xf32, #tpu.memory_space<vmem>>
      %dma_start3A_243 = arith.constant 0 : i32
      %dma_start3A_244 = tpu.memref_slice %arg4[%add3A_237, %dma_start3A_243] : memref<819200x128xf32, #tpu.memory_space<hbm>> -> memref<128x128xf32, #tpu.memory_space<hbm>>
      %dma_start3A_245 = arith.constant 0 : i32
      %dma_start3A_246 = tpu.memref_slice %arg4[%add3A_237, %dma_start3A_245] : memref<819200x128xf32, #tpu.memory_space<hbm>> -> memref<128x128xf32, #tpu.memory_space<hbm>>
      %dma_start3A_247 = arith.constant 0 : i32
      %dma_start3A_248 = arith.constant 0 : i32
      %dma_start3A_249 = tpu.memref_slice %arg7[%dma_start3A_238, %dma_start3A_247, %dma_start3A_248] : memref<4x128x128xf32, #tpu.memory_space<vmem>> -> memref<1x128x128xf32, #tpu.memory_space<vmem>>
      %dma_start3A_250 = tpu.memref_squeeze %dma_start3A_249 : memref<1x128x128xf32, #tpu.memory_space<vmem>> -> memref<128x128xf32, #tpu.memory_space<vmem>>
      tpu.enqueue_dma source(%dma_start3A_250 : memref<128x128xf32, #tpu.memory_space<vmem>>) target(%dma_start3A_246 : memref<128x128xf32, #tpu.memory_space<hbm>>) target_semaphore(%arg9 : memref<!tpu.dma_semaphore, #tpu.memory_space<semaphore_mem>>)
      %dma_wait3A_251 = arith.constant 0 : i32
      %dma_wait3A_252 = arith.constant 0 : i32
      %dma_wait3A_253 = arith.constant 0 : i32
      %dma_wait3A_254 = tpu.memref_slice %arg7[%dma_wait3A_251, %dma_wait3A_252, %dma_wait3A_253] : memref<4x128x128xf32, #tpu.memory_space<vmem>> -> memref<1x128x128xf32, #tpu.memory_space<vmem>>
      %dma_wait3A_255 = tpu.memref_squeeze %dma_wait3A_254 : memref<1x128x128xf32, #tpu.memory_space<vmem>> -> memref<128x128xf32, #tpu.memory_space<vmem>>
      %dma_wait3A_256 = arith.constant 0 : i32
      %dma_wait3A_257 = tpu.memref_slice %arg4[%mul3A_2, %dma_wait3A_256] : memref<819200x128xf32, #tpu.memory_space<hbm>> -> memref<128x128xf32, #tpu.memory_space<hbm>>
      %dma_wait3A_258 = arith.constant 0 : i32
      %dma_wait3A_259 = tpu.memref_slice %arg4[%mul3A_2, %dma_wait3A_258] : memref<819200x128xf32, #tpu.memory_space<hbm>> -> memref<128x128xf32, #tpu.memory_space<hbm>>
      %dma_wait3A_260 = arith.constant 0 : i32
      %dma_wait3A_261 = arith.constant 0 : i32
      %dma_wait3A_262 = tpu.memref_slice %arg7[%dma_wait3A_251, %dma_wait3A_260, %dma_wait3A_261] : memref<4x128x128xf32, #tpu.memory_space<vmem>> -> memref<1x128x128xf32, #tpu.memory_space<vmem>>
      %dma_wait3A_263 = tpu.memref_squeeze %dma_wait3A_262 : memref<1x128x128xf32, #tpu.memory_space<vmem>> -> memref<128x128xf32, #tpu.memory_space<vmem>>
      tpu.wait_dma2 semaphore(%arg9 : memref<!tpu.dma_semaphore, #tpu.memory_space<semaphore_mem>>) src(%dma_wait3A_263 : memref<128x128xf32, #tpu.memory_space<vmem>>) dst(%dma_wait3A_259 : memref<128x128xf32, #tpu.memory_space<hbm>>)
      %add3A_264 = arith.constant 4 : i32
      %add3A_265 = arith.addi %add3A_222, %add3A_264 : i32
      %dma_start3A_266 = arith.constant 0 : i32
      %dma_start3A_267 = arith.constant 0 : i32
      %dma_start3A_268 = arith.constant 0 : i32
      %dma_start3A_269 = tpu.memref_slice %arg7[%dma_start3A_266, %dma_start3A_267, %dma_start3A_268] : memref<4x128x128xf32, #tpu.memory_space<vmem>> -> memref<1x128x128xf32, #tpu.memory_space<vmem>>
      %dma_start3A_270 = tpu.memref_squeeze %dma_start3A_269 : memref<1x128x128xf32, #tpu.memory_space<vmem>> -> memref<128x128xf32, #tpu.memory_space<vmem>>
      %dma_start3A_271 = arith.constant 0 : i32
      %dma_start3A_272 = tpu.memref_slice %arg5[%add3A_265, %dma_start3A_271] : memref<200x128xi32, #tpu.memory_space<vmem>> -> memref<1x128xi32, #tpu.memory_space<vmem>>
      %dma_start3A_273 = tpu.memref_squeeze %dma_start3A_272 : memref<1x128xi32, #tpu.memory_space<vmem>> -> memref<128xi32, #tpu.memory_space<vmem>>
      %dma_start3A_274 = arith.constant 0 : i32
      %dma_start3A_275 = arith.constant 0 : i32
      %dma_start3A_276 = tpu.memref_slice %arg6[%dma_start3A_274, %dma_start3A_275] : memref<4x128xf32, #tpu.memory_space<vmem_shared>> -> memref<4x128xf32, #tpu.memory_space<vmem_shared>>
      tpu.enqueue_indirect_dma source(%dma_start3A_276 : memref<4x128xf32, #tpu.memory_space<vmem_shared>>) target(%dma_start3A_270 : memref<128x128xf32, #tpu.memory_space<vmem>>) offsets(%dma_start3A_273 : memref<128xi32, #tpu.memory_space<vmem>>) semaphore(%arg8 : memref<!tpu.dma_semaphore, #tpu.memory_space<semaphore_mem>>)
      %mul3A_277 = arith.constant 4 : i32
      %mul3A_278 = arith.muli %scan3A_218, %mul3A_277 : i32
      %add3A_279 = arith.constant 1 : i32
      %add3A_280 = arith.addi %mul3A_278, %add3A_279 : i32
      %dma_wait3A_281 = arith.constant 0 : i32
      %dma_wait3A_282 = arith.constant 1 : i32
      %dma_wait3A_283 = arith.constant 0 : i32
      %dma_wait3A_284 = arith.constant 0 : i32
      %dma_wait3A_285 = tpu.memref_slice %arg7[%dma_wait3A_282, %dma_wait3A_283, %dma_wait3A_284] : memref<4x128x128xf32, #tpu.memory_space<vmem>> -> memref<1x128x128xf32, #tpu.memory_space<vmem>>
      %dma_wait3A_286 = tpu.memref_squeeze %dma_wait3A_285 : memref<1x128x128xf32, #tpu.memory_space<vmem>> -> memref<128x128xf32, #tpu.memory_space<vmem>>
      %dma_wait3A_287 = arith.constant 0 : i32
      %dma_wait3A_288 = tpu.memref_slice %arg5[%dma_wait3A_281, %dma_wait3A_287] : memref<200x128xi32, #tpu.memory_space<vmem>> -> memref<1x128xi32, #tpu.memory_space<vmem>>
      %dma_wait3A_289 = tpu.memref_squeeze %dma_wait3A_288 : memref<1x128xi32, #tpu.memory_space<vmem>> -> memref<128xi32, #tpu.memory_space<vmem>>
      %dma_wait3A_290 = arith.constant 0 : i32
      %dma_wait3A_291 = arith.constant 0 : i32
      %dma_wait3A_292 = tpu.memref_slice %arg6[%dma_wait3A_290, %dma_wait3A_291] : memref<4x128xf32, #tpu.memory_space<vmem_shared>> -> memref<4x128xf32, #tpu.memory_space<vmem_shared>>
      tpu.wait_indirect_dma semaphore(%arg8 : memref<!tpu.dma_semaphore, #tpu.memory_space<semaphore_mem>>) src(%dma_wait3A_292 : memref<4x128xf32, #tpu.memory_space<vmem_shared>>) dst(%dma_wait3A_286 : memref<128x128xf32, #tpu.memory_space<vmem>>)
      %mul3A_293 = arith.constant 128 : i32
      %mul3A_294 = arith.muli %add3A_280, %mul3A_293 : i32
      %add3A_295 = arith.addi %mul3A_2, %mul3A_294 : i32
      %dma_start3A_296 = arith.constant 1 : i32
      %dma_start3A_297 = arith.constant 0 : i32
      %dma_start3A_298 = arith.constant 0 : i32
      %dma_start3A_299 = tpu.memref_slice %arg7[%dma_start3A_296, %dma_start3A_297, %dma_start3A_298] : memref<4x128x128xf32, #tpu.memory_space<vmem>> -> memref<1x128x128xf32, #tpu.memory_space<vmem>>
      %dma_start3A_300 = tpu.memref_squeeze %dma_start3A_299 : memref<1x128x128xf32, #tpu.memory_space<vmem>> -> memref<128x128xf32, #tpu.memory_space<vmem>>
      %dma_start3A_301 = arith.constant 0 : i32
      %dma_start3A_302 = tpu.memref_slice %arg4[%add3A_295, %dma_start3A_301] : memref<819200x128xf32, #tpu.memory_space<hbm>> -> memref<128x128xf32, #tpu.memory_space<hbm>>
      %dma_start3A_303 = arith.constant 0 : i32
      %dma_start3A_304 = tpu.memref_slice %arg4[%add3A_295, %dma_start3A_303] : memref<819200x128xf32, #tpu.memory_space<hbm>> -> memref<128x128xf32, #tpu.memory_space<hbm>>
      %dma_start3A_305 = arith.constant 0 : i32
      %dma_start3A_306 = arith.constant 0 : i32
      %dma_start3A_307 = tpu.memref_slice %arg7[%dma_start3A_296, %dma_start3A_305, %dma_start3A_306] : memref<4x128x128xf32, #tpu.memory_space<vmem>> -> memref<1x128x128xf32, #tpu.memory_space<vmem>>
      %dma_start3A_308 = tpu.memref_squeeze %dma_start3A_307 : memref<1x128x128xf32, #tpu.memory_space<vmem>> -> memref<128x128xf32, #tpu.memory_space<vmem>>
      tpu.enqueue_dma source(%dma_start3A_308 : memref<128x128xf32, #tpu.memory_space<vmem>>) target(%dma_start3A_304 : memref<128x128xf32, #tpu.memory_space<hbm>>) target_semaphore(%arg9 : memref<!tpu.dma_semaphore, #tpu.memory_space<semaphore_mem>>)
      %dma_wait3A_309 = arith.constant 1 : i32
      %dma_wait3A_310 = arith.constant 0 : i32
      %dma_wait3A_311 = arith.constant 0 : i32
      %dma_wait3A_312 = tpu.memref_slice %arg7[%dma_wait3A_309, %dma_wait3A_310, %dma_wait3A_311] : memref<4x128x128xf32, #tpu.memory_space<vmem>> -> memref<1x128x128xf32, #tpu.memory_space<vmem>>
      %dma_wait3A_313 = tpu.memref_squeeze %dma_wait3A_312 : memref<1x128x128xf32, #tpu.memory_space<vmem>> -> memref<128x128xf32, #tpu.memory_space<vmem>>
      %dma_wait3A_314 = arith.constant 0 : i32
      %dma_wait3A_315 = tpu.memref_slice %arg4[%mul3A_2, %dma_wait3A_314] : memref<819200x128xf32, #tpu.memory_space<hbm>> -> memref<128x128xf32, #tpu.memory_space<hbm>>
      %dma_wait3A_316 = arith.constant 0 : i32
      %dma_wait3A_317 = tpu.memref_slice %arg4[%mul3A_2, %dma_wait3A_316] : memref<819200x128xf32, #tpu.memory_space<hbm>> -> memref<128x128xf32, #tpu.memory_space<hbm>>
      %dma_wait3A_318 = arith.constant 0 : i32
      %dma_wait3A_319 = arith.constant 0 : i32
      %dma_wait3A_320 = tpu.memref_slice %arg7[%dma_wait3A_309, %dma_wait3A_318, %dma_wait3A_319] : memref<4x128x128xf32, #tpu.memory_space<vmem>> -> memref<1x128x128xf32, #tpu.memory_space<vmem>>
      %dma_wait3A_321 = tpu.memref_squeeze %dma_wait3A_320 : memref<1x128x128xf32, #tpu.memory_space<vmem>> -> memref<128x128xf32, #tpu.memory_space<vmem>>
      tpu.wait_dma2 semaphore(%arg9 : memref<!tpu.dma_semaphore, #tpu.memory_space<semaphore_mem>>) src(%dma_wait3A_321 : memref<128x128xf32, #tpu.memory_space<vmem>>) dst(%dma_wait3A_317 : memref<128x128xf32, #tpu.memory_space<hbm>>)
      %add3A_322 = arith.constant 4 : i32
      %add3A_323 = arith.addi %add3A_280, %add3A_322 : i32
      %dma_start3A_324 = arith.constant 1 : i32
      %dma_start3A_325 = arith.constant 0 : i32
      %dma_start3A_326 = arith.constant 0 : i32
      %dma_start3A_327 = tpu.memref_slice %arg7[%dma_start3A_324, %dma_start3A_325, %dma_start3A_326] : memref<4x128x128xf32, #tpu.memory_space<vmem>> -> memref<1x128x128xf32, #tpu.memory_space<vmem>>
      %dma_start3A_328 = tpu.memref_squeeze %dma_start3A_327 : memref<1x128x128xf32, #tpu.memory_space<vmem>> -> memref<128x128xf32, #tpu.memory_space<vmem>>
      %dma_start3A_329 = arith.constant 0 : i32
      %dma_start3A_330 = tpu.memref_slice %arg5[%add3A_323, %dma_start3A_329] : memref<200x128xi32, #tpu.memory_space<vmem>> -> memref<1x128xi32, #tpu.memory_space<vmem>>
      %dma_start3A_331 = tpu.memref_squeeze %dma_start3A_330 : memref<1x128xi32, #tpu.memory_space<vmem>> -> memref<128xi32, #tpu.memory_space<vmem>>
      %dma_start3A_332 = arith.constant 0 : i32
      %dma_start3A_333 = arith.constant 0 : i32
      %dma_start3A_334 = tpu.memref_slice %arg6[%dma_start3A_332, %dma_start3A_333] : memref<4x128xf32, #tpu.memory_space<vmem_shared>> -> memref<4x128xf32, #tpu.memory_space<vmem_shared>>
      tpu.enqueue_indirect_dma source(%dma_start3A_334 : memref<4x128xf32, #tpu.memory_space<vmem_shared>>) target(%dma_start3A_328 : memref<128x128xf32, #tpu.memory_space<vmem>>) offsets(%dma_start3A_331 : memref<128xi32, #tpu.memory_space<vmem>>) semaphore(%arg8 : memref<!tpu.dma_semaphore, #tpu.memory_space<semaphore_mem>>)
      %mul3A_335 = arith.constant 4 : i32
      %mul3A_336 = arith.muli %scan3A_218, %mul3A_335 : i32
      %add3A_337 = arith.constant 2 : i32
      %add3A_338 = arith.addi %mul3A_336, %add3A_337 : i32
      %dma_wait3A_339 = arith.constant 0 : i32
      %dma_wait3A_340 = arith.constant 2 : i32
      %dma_wait3A_341 = arith.constant 0 : i32
      %dma_wait3A_342 = arith.constant 0 : i32
      %dma_wait3A_343 = tpu.memref_slice %arg7[%dma_wait3A_340, %dma_wait3A_341, %dma_wait3A_342] : memref<4x128x128xf32, #tpu.memory_space<vmem>> -> memref<1x128x128xf32, #tpu.memory_space<vmem>>
      %dma_wait3A_344 = tpu.memref_squeeze %dma_wait3A_343 : memref<1x128x128xf32, #tpu.memory_space<vmem>> -> memref<128x128xf32, #tpu.memory_space<vmem>>
      %dma_wait3A_345 = arith.constant 0 : i32
      %dma_wait3A_346 = tpu.memref_slice %arg5[%dma_wait3A_339, %dma_wait3A_345] : memref<200x128xi32, #tpu.memory_space<vmem>> -> memref<1x128xi32, #tpu.memory_space<vmem>>
      %dma_wait3A_347 = tpu.memref_squeeze %dma_wait3A_346 : memref<1x128xi32, #tpu.memory_space<vmem>> -> memref<128xi32, #tpu.memory_space<vmem>>
      %dma_wait3A_348 = arith.constant 0 : i32
      %dma_wait3A_349 = arith.constant 0 : i32
      %dma_wait3A_350 = tpu.memref_slice %arg6[%dma_wait3A_348, %dma_wait3A_349] : memref<4x128xf32, #tpu.memory_space<vmem_shared>> -> memref<4x128xf32, #tpu.memory_space<vmem_shared>>
      tpu.wait_indirect_dma semaphore(%arg8 : memref<!tpu.dma_semaphore, #tpu.memory_space<semaphore_mem>>) src(%dma_wait3A_350 : memref<4x128xf32, #tpu.memory_space<vmem_shared>>) dst(%dma_wait3A_344 : memref<128x128xf32, #tpu.memory_space<vmem>>)
      %mul3A_351 = arith.constant 128 : i32
      %mul3A_352 = arith.muli %add3A_338, %mul3A_351 : i32
      %add3A_353 = arith.addi %mul3A_2, %mul3A_352 : i32
      %dma_start3A_354 = arith.constant 2 : i32
      %dma_start3A_355 = arith.constant 0 : i32
      %dma_start3A_356 = arith.constant 0 : i32
      %dma_start3A_357 = tpu.memref_slice %arg7[%dma_start3A_354, %dma_start3A_355, %dma_start3A_356] : memref<4x128x128xf32, #tpu.memory_space<vmem>> -> memref<1x128x128xf32, #tpu.memory_space<vmem>>
      %dma_start3A_358 = tpu.memref_squeeze %dma_start3A_357 : memref<1x128x128xf32, #tpu.memory_space<vmem>> -> memref<128x128xf32, #tpu.memory_space<vmem>>
      %dma_start3A_359 = arith.constant 0 : i32
      %dma_start3A_360 = tpu.memref_slice %arg4[%add3A_353, %dma_start3A_359] : memref<819200x128xf32, #tpu.memory_space<hbm>> -> memref<128x128xf32, #tpu.memory_space<hbm>>
      %dma_start3A_361 = arith.constant 0 : i32
      %dma_start3A_362 = tpu.memref_slice %arg4[%add3A_353, %dma_start3A_361] : memref<819200x128xf32, #tpu.memory_space<hbm>> -> memref<128x128xf32, #tpu.memory_space<hbm>>
      %dma_start3A_363 = arith.constant 0 : i32
      %dma_start3A_364 = arith.constant 0 : i32
      %dma_start3A_365 = tpu.memref_slice %arg7[%dma_start3A_354, %dma_start3A_363, %dma_start3A_364] : memref<4x128x128xf32, #tpu.memory_space<vmem>> -> memref<1x128x128xf32, #tpu.memory_space<vmem>>
      %dma_start3A_366 = tpu.memref_squeeze %dma_start3A_365 : memref<1x128x128xf32, #tpu.memory_space<vmem>> -> memref<128x128xf32, #tpu.memory_space<vmem>>
      tpu.enqueue_dma source(%dma_start3A_366 : memref<128x128xf32, #tpu.memory_space<vmem>>) target(%dma_start3A_362 : memref<128x128xf32, #tpu.memory_space<hbm>>) target_semaphore(%arg9 : memref<!tpu.dma_semaphore, #tpu.memory_space<semaphore_mem>>)
      %dma_wait3A_367 = arith.constant 2 : i32
      %dma_wait3A_368 = arith.constant 0 : i32
      %dma_wait3A_369 = arith.constant 0 : i32
      %dma_wait3A_370 = tpu.memref_slice %arg7[%dma_wait3A_367, %dma_wait3A_368, %dma_wait3A_369] : memref<4x128x128xf32, #tpu.memory_space<vmem>> -> memref<1x128x128xf32, #tpu.memory_space<vmem>>
      %dma_wait3A_371 = tpu.memref_squeeze %dma_wait3A_370 : memref<1x128x128xf32, #tpu.memory_space<vmem>> -> memref<128x128xf32, #tpu.memory_space<vmem>>
      %dma_wait3A_372 = arith.constant 0 : i32
      %dma_wait3A_373 = tpu.memref_slice %arg4[%mul3A_2, %dma_wait3A_372] : memref<819200x128xf32, #tpu.memory_space<hbm>> -> memref<128x128xf32, #tpu.memory_space<hbm>>
      %dma_wait3A_374 = arith.constant 0 : i32
      %dma_wait3A_375 = tpu.memref_slice %arg4[%mul3A_2, %dma_wait3A_374] : memref<819200x128xf32, #tpu.memory_space<hbm>> -> memref<128x128xf32, #tpu.memory_space<hbm>>
      %dma_wait3A_376 = arith.constant 0 : i32
      %dma_wait3A_377 = arith.constant 0 : i32
      %dma_wait3A_378 = tpu.memref_slice %arg7[%dma_wait3A_367, %dma_wait3A_376, %dma_wait3A_377] : memref<4x128x128xf32, #tpu.memory_space<vmem>> -> memref<1x128x128xf32, #tpu.memory_space<vmem>>
      %dma_wait3A_379 = tpu.memref_squeeze %dma_wait3A_378 : memref<1x128x128xf32, #tpu.memory_space<vmem>> -> memref<128x128xf32, #tpu.memory_space<vmem>>
      tpu.wait_dma2 semaphore(%arg9 : memref<!tpu.dma_semaphore, #tpu.memory_space<semaphore_mem>>) src(%dma_wait3A_379 : memref<128x128xf32, #tpu.memory_space<vmem>>) dst(%dma_wait3A_375 : memref<128x128xf32, #tpu.memory_space<hbm>>)
      %add3A_380 = arith.constant 4 : i32
      %add3A_381 = arith.addi %add3A_338, %add3A_380 : i32
      %dma_start3A_382 = arith.constant 2 : i32
      %dma_start3A_383 = arith.constant 0 : i32
      %dma_start3A_384 = arith.constant 0 : i32
      %dma_start3A_385 = tpu.memref_slice %arg7[%dma_start3A_382, %dma_start3A_383, %dma_start3A_384] : memref<4x128x128xf32, #tpu.memory_space<vmem>> -> memref<1x128x128xf32, #tpu.memory_space<vmem>>
      %dma_start3A_386 = tpu.memref_squeeze %dma_start3A_385 : memref<1x128x128xf32, #tpu.memory_space<vmem>> -> memref<128x128xf32, #tpu.memory_space<vmem>>
      %dma_start3A_387 = arith.constant 0 : i32
      %dma_start3A_388 = tpu.memref_slice %arg5[%add3A_381, %dma_start3A_387] : memref<200x128xi32, #tpu.memory_space<vmem>> -> memref<1x128xi32, #tpu.memory_space<vmem>>
      %dma_start3A_389 = tpu.memref_squeeze %dma_start3A_388 : memref<1x128xi32, #tpu.memory_space<vmem>> -> memref<128xi32, #tpu.memory_space<vmem>>
      %dma_start3A_390 = arith.constant 0 : i32
      %dma_start3A_391 = arith.constant 0 : i32
      %dma_start3A_392 = tpu.memref_slice %arg6[%dma_start3A_390, %dma_start3A_391] : memref<4x128xf32, #tpu.memory_space<vmem_shared>> -> memref<4x128xf32, #tpu.memory_space<vmem_shared>>
      tpu.enqueue_indirect_dma source(%dma_start3A_392 : memref<4x128xf32, #tpu.memory_space<vmem_shared>>) target(%dma_start3A_386 : memref<128x128xf32, #tpu.memory_space<vmem>>) offsets(%dma_start3A_389 : memref<128xi32, #tpu.memory_space<vmem>>) semaphore(%arg8 : memref<!tpu.dma_semaphore, #tpu.memory_space<semaphore_mem>>)
      %mul3A_393 = arith.constant 4 : i32
      %mul3A_394 = arith.muli %scan3A_218, %mul3A_393 : i32
      %add3A_395 = arith.constant 3 : i32
      %add3A_396 = arith.addi %mul3A_394, %add3A_395 : i32
      %dma_wait3A_397 = arith.constant 0 : i32
      %dma_wait3A_398 = arith.constant 3 : i32
      %dma_wait3A_399 = arith.constant 0 : i32
      %dma_wait3A_400 = arith.constant 0 : i32
      %dma_wait3A_401 = tpu.memref_slice %arg7[%dma_wait3A_398, %dma_wait3A_399, %dma_wait3A_400] : memref<4x128x128xf32, #tpu.memory_space<vmem>> -> memref<1x128x128xf32, #tpu.memory_space<vmem>>
      %dma_wait3A_402 = tpu.memref_squeeze %dma_wait3A_401 : memref<1x128x128xf32, #tpu.memory_space<vmem>> -> memref<128x128xf32, #tpu.memory_space<vmem>>
      %dma_wait3A_403 = arith.constant 0 : i32
      %dma_wait3A_404 = tpu.memref_slice %arg5[%dma_wait3A_397, %dma_wait3A_403] : memref<200x128xi32, #tpu.memory_space<vmem>> -> memref<1x128xi32, #tpu.memory_space<vmem>>
      %dma_wait3A_405 = tpu.memref_squeeze %dma_wait3A_404 : memref<1x128xi32, #tpu.memory_space<vmem>> -> memref<128xi32, #tpu.memory_space<vmem>>
      %dma_wait3A_406 = arith.constant 0 : i32
      %dma_wait3A_407 = arith.constant 0 : i32
      %dma_wait3A_408 = tpu.memref_slice %arg6[%dma_wait3A_406, %dma_wait3A_407] : memref<4x128xf32, #tpu.memory_space<vmem_shared>> -> memref<4x128xf32, #tpu.memory_space<vmem_shared>>
      tpu.wait_indirect_dma semaphore(%arg8 : memref<!tpu.dma_semaphore, #tpu.memory_space<semaphore_mem>>) src(%dma_wait3A_408 : memref<4x128xf32, #tpu.memory_space<vmem_shared>>) dst(%dma_wait3A_402 : memref<128x128xf32, #tpu.memory_space<vmem>>)
      %mul3A_409 = arith.constant 128 : i32
      %mul3A_410 = arith.muli %add3A_396, %mul3A_409 : i32
      %add3A_411 = arith.addi %mul3A_2, %mul3A_410 : i32
      %dma_start3A_412 = arith.constant 3 : i32
      %dma_start3A_413 = arith.constant 0 : i32
      %dma_start3A_414 = arith.constant 0 : i32
      %dma_start3A_415 = tpu.memref_slice %arg7[%dma_start3A_412, %dma_start3A_413, %dma_start3A_414] : memref<4x128x128xf32, #tpu.memory_space<vmem>> -> memref<1x128x128xf32, #tpu.memory_space<vmem>>
      %dma_start3A_416 = tpu.memref_squeeze %dma_start3A_415 : memref<1x128x128xf32, #tpu.memory_space<vmem>> -> memref<128x128xf32, #tpu.memory_space<vmem>>
      %dma_start3A_417 = arith.constant 0 : i32
      %dma_start3A_418 = tpu.memref_slice %arg4[%add3A_411, %dma_start3A_417] : memref<819200x128xf32, #tpu.memory_space<hbm>> -> memref<128x128xf32, #tpu.memory_space<hbm>>
      %dma_start3A_419 = arith.constant 0 : i32
      %dma_start3A_420 = tpu.memref_slice %arg4[%add3A_411, %dma_start3A_419] : memref<819200x128xf32, #tpu.memory_space<hbm>> -> memref<128x128xf32, #tpu.memory_space<hbm>>
      %dma_start3A_421 = arith.constant 0 : i32
      %dma_start3A_422 = arith.constant 0 : i32
      %dma_start3A_423 = tpu.memref_slice %arg7[%dma_start3A_412, %dma_start3A_421, %dma_start3A_422] : memref<4x128x128xf32, #tpu.memory_space<vmem>> -> memref<1x128x128xf32, #tpu.memory_space<vmem>>
      %dma_start3A_424 = tpu.memref_squeeze %dma_start3A_423 : memref<1x128x128xf32, #tpu.memory_space<vmem>> -> memref<128x128xf32, #tpu.memory_space<vmem>>
      tpu.enqueue_dma source(%dma_start3A_424 : memref<128x128xf32, #tpu.memory_space<vmem>>) target(%dma_start3A_420 : memref<128x128xf32, #tpu.memory_space<hbm>>) target_semaphore(%arg9 : memref<!tpu.dma_semaphore, #tpu.memory_space<semaphore_mem>>)
      %dma_wait3A_425 = arith.constant 3 : i32
      %dma_wait3A_426 = arith.constant 0 : i32
      %dma_wait3A_427 = arith.constant 0 : i32
      %dma_wait3A_428 = tpu.memref_slice %arg7[%dma_wait3A_425, %dma_wait3A_426, %dma_wait3A_427] : memref<4x128x128xf32, #tpu.memory_space<vmem>> -> memref<1x128x128xf32, #tpu.memory_space<vmem>>
      %dma_wait3A_429 = tpu.memref_squeeze %dma_wait3A_428 : memref<1x128x128xf32, #tpu.memory_space<vmem>> -> memref<128x128xf32, #tpu.memory_space<vmem>>
      %dma_wait3A_430 = arith.constant 0 : i32
      %dma_wait3A_431 = tpu.memref_slice %arg4[%mul3A_2, %dma_wait3A_430] : memref<819200x128xf32, #tpu.memory_space<hbm>> -> memref<128x128xf32, #tpu.memory_space<hbm>>
      %dma_wait3A_432 = arith.constant 0 : i32
      %dma_wait3A_433 = tpu.memref_slice %arg4[%mul3A_2, %dma_wait3A_432] : memref<819200x128xf32, #tpu.memory_space<hbm>> -> memref<128x128xf32, #tpu.memory_space<hbm>>
      %dma_wait3A_434 = arith.constant 0 : i32
      %dma_wait3A_435 = arith.constant 0 : i32
      %dma_wait3A_436 = tpu.memref_slice %arg7[%dma_wait3A_425, %dma_wait3A_434, %dma_wait3A_435] : memref<4x128x128xf32, #tpu.memory_space<vmem>> -> memref<1x128x128xf32, #tpu.memory_space<vmem>>
      %dma_wait3A_437 = tpu.memref_squeeze %dma_wait3A_436 : memref<1x128x128xf32, #tpu.memory_space<vmem>> -> memref<128x128xf32, #tpu.memory_space<vmem>>
      tpu.wait_dma2 semaphore(%arg9 : memref<!tpu.dma_semaphore, #tpu.memory_space<semaphore_mem>>) src(%dma_wait3A_437 : memref<128x128xf32, #tpu.memory_space<vmem>>) dst(%dma_wait3A_433 : memref<128x128xf32, #tpu.memory_space<hbm>>)
      %add3A_438 = arith.constant 4 : i32
      %add3A_439 = arith.addi %add3A_396, %add3A_438 : i32
      %dma_start3A_440 = arith.constant 3 : i32
      %dma_start3A_441 = arith.constant 0 : i32
      %dma_start3A_442 = arith.constant 0 : i32
      %dma_start3A_443 = tpu.memref_slice %arg7[%dma_start3A_440, %dma_start3A_441, %dma_start3A_442] : memref<4x128x128xf32, #tpu.memory_space<vmem>> -> memref<1x128x128xf32, #tpu.memory_space<vmem>>
      %dma_start3A_444 = tpu.memref_squeeze %dma_start3A_443 : memref<1x128x128xf32, #tpu.memory_space<vmem>> -> memref<128x128xf32, #tpu.memory_space<vmem>>
      %dma_start3A_445 = arith.constant 0 : i32
      %dma_start3A_446 = tpu.memref_slice %arg5[%add3A_439, %dma_start3A_445] : memref<200x128xi32, #tpu.memory_space<vmem>> -> memref<1x128xi32, #tpu.memory_space<vmem>>
      %dma_start3A_447 = tpu.memref_squeeze %dma_start3A_446 : memref<1x128xi32, #tpu.memory_space<vmem>> -> memref<128xi32, #tpu.memory_space<vmem>>
      %dma_start3A_448 = arith.constant 0 : i32
      %dma_start3A_449 = arith.constant 0 : i32
      %dma_start3A_450 = tpu.memref_slice %arg6[%dma_start3A_448, %dma_start3A_449] : memref<4x128xf32, #tpu.memory_space<vmem_shared>> -> memref<4x128xf32, #tpu.memory_space<vmem_shared>>
      tpu.enqueue_indirect_dma source(%dma_start3A_450 : memref<4x128xf32, #tpu.memory_space<vmem_shared>>) target(%dma_start3A_444 : memref<128x128xf32, #tpu.memory_space<vmem>>) offsets(%dma_start3A_447 : memref<128xi32, #tpu.memory_space<vmem>>) semaphore(%arg8 : memref<!tpu.dma_semaphore, #tpu.memory_space<semaphore_mem>>)
    }
    %scan3A_58 = arith.constant 49 : i32
    %dma_wait3A = arith.constant 0 : i32
    %dma_wait3A_59 = arith.constant 0 : i32
    %dma_wait3A_60 = arith.constant 0 : i32
    %dma_wait3A_61 = arith.constant 0 : i32
    %dma_wait3A_62 = tpu.memref_slice %arg7[%dma_wait3A_59, %dma_wait3A_60, %dma_wait3A_61] : memref<4x128x128xf32, #tpu.memory_space<vmem>> -> memref<1x128x128xf32, #tpu.memory_space<vmem>>
    %dma_wait3A_63 = tpu.memref_squeeze %dma_wait3A_62 : memref<1x128x128xf32, #tpu.memory_space<vmem>> -> memref<128x128xf32, #tpu.memory_space<vmem>>
    %dma_wait3A_64 = arith.constant 0 : i32
    %dma_wait3A_65 = tpu.memref_slice %arg5[%dma_wait3A, %dma_wait3A_64] : memref<200x128xi32, #tpu.memory_space<vmem>> -> memref<1x128xi32, #tpu.memory_space<vmem>>
    %dma_wait3A_66 = tpu.memref_squeeze %dma_wait3A_65 : memref<1x128xi32, #tpu.memory_space<vmem>> -> memref<128xi32, #tpu.memory_space<vmem>>
    %dma_wait3A_67 = arith.constant 0 : i32
    %dma_wait3A_68 = arith.constant 0 : i32
    %dma_wait3A_69 = tpu.memref_slice %arg6[%dma_wait3A_67, %dma_wait3A_68] : memref<4x128xf32, #tpu.memory_space<vmem_shared>> -> memref<4x128xf32, #tpu.memory_space<vmem_shared>>
    tpu.wait_indirect_dma semaphore(%arg8 : memref<!tpu.dma_semaphore, #tpu.memory_space<semaphore_mem>>) src(%dma_wait3A_69 : memref<4x128xf32, #tpu.memory_space<vmem_shared>>) dst(%dma_wait3A_63 : memref<128x128xf32, #tpu.memory_space<vmem>>)
    %add3A_70 = arith.constant 25088 : i32
    %add3A_71 = arith.addi %mul3A_2, %add3A_70 : i32
    %dma_start3A_72 = arith.constant 0 : i32
    %dma_start3A_73 = arith.constant 0 : i32
    %dma_start3A_74 = arith.constant 0 : i32
    %dma_start3A_75 = tpu.memref_slice %arg7[%dma_start3A_72, %dma_start3A_73, %dma_start3A_74] : memref<4x128x128xf32, #tpu.memory_space<vmem>> -> memref<1x128x128xf32, #tpu.memory_space<vmem>>
    %dma_start3A_76 = tpu.memref_squeeze %dma_start3A_75 : memref<1x128x128xf32, #tpu.memory_space<vmem>> -> memref<128x128xf32, #tpu.memory_space<vmem>>
    %dma_start3A_77 = arith.constant 0 : i32
    %dma_start3A_78 = tpu.memref_slice %arg4[%add3A_71, %dma_start3A_77] : memref<819200x128xf32, #tpu.memory_space<hbm>> -> memref<128x128xf32, #tpu.memory_space<hbm>>
    %dma_start3A_79 = arith.constant 0 : i32
    %dma_start3A_80 = tpu.memref_slice %arg4[%add3A_71, %dma_start3A_79] : memref<819200x128xf32, #tpu.memory_space<hbm>> -> memref<128x128xf32, #tpu.memory_space<hbm>>
    %dma_start3A_81 = arith.constant 0 : i32
    %dma_start3A_82 = arith.constant 0 : i32
    %dma_start3A_83 = tpu.memref_slice %arg7[%dma_start3A_72, %dma_start3A_81, %dma_start3A_82] : memref<4x128x128xf32, #tpu.memory_space<vmem>> -> memref<1x128x128xf32, #tpu.memory_space<vmem>>
    %dma_start3A_84 = tpu.memref_squeeze %dma_start3A_83 : memref<1x128x128xf32, #tpu.memory_space<vmem>> -> memref<128x128xf32, #tpu.memory_space<vmem>>
    tpu.enqueue_dma source(%dma_start3A_84 : memref<128x128xf32, #tpu.memory_space<vmem>>) target(%dma_start3A_80 : memref<128x128xf32, #tpu.memory_space<hbm>>) target_semaphore(%arg9 : memref<!tpu.dma_semaphore, #tpu.memory_space<semaphore_mem>>)
    %dma_wait3A_85 = arith.constant 0 : i32
    %dma_wait3A_86 = arith.constant 1 : i32
    %dma_wait3A_87 = arith.constant 0 : i32
    %dma_wait3A_88 = arith.constant 0 : i32
    %dma_wait3A_89 = tpu.memref_slice %arg7[%dma_wait3A_86, %dma_wait3A_87, %dma_wait3A_88] : memref<4x128x128xf32, #tpu.memory_space<vmem>> -> memref<1x128x128xf32, #tpu.memory_space<vmem>>
    %dma_wait3A_90 = tpu.memref_squeeze %dma_wait3A_89 : memref<1x128x128xf32, #tpu.memory_space<vmem>> -> memref<128x128xf32, #tpu.memory_space<vmem>>
    %dma_wait3A_91 = arith.constant 0 : i32
    %dma_wait3A_92 = tpu.memref_slice %arg5[%dma_wait3A_85, %dma_wait3A_91] : memref<200x128xi32, #tpu.memory_space<vmem>> -> memref<1x128xi32, #tpu.memory_space<vmem>>
    %dma_wait3A_93 = tpu.memref_squeeze %dma_wait3A_92 : memref<1x128xi32, #tpu.memory_space<vmem>> -> memref<128xi32, #tpu.memory_space<vmem>>
    %dma_wait3A_94 = arith.constant 0 : i32
    %dma_wait3A_95 = arith.constant 0 : i32
    %dma_wait3A_96 = tpu.memref_slice %arg6[%dma_wait3A_94, %dma_wait3A_95] : memref<4x128xf32, #tpu.memory_space<vmem_shared>> -> memref<4x128xf32, #tpu.memory_space<vmem_shared>>
    tpu.wait_indirect_dma semaphore(%arg8 : memref<!tpu.dma_semaphore, #tpu.memory_space<semaphore_mem>>) src(%dma_wait3A_96 : memref<4x128xf32, #tpu.memory_space<vmem_shared>>) dst(%dma_wait3A_90 : memref<128x128xf32, #tpu.memory_space<vmem>>)
    %add3A_97 = arith.constant 25216 : i32
    %add3A_98 = arith.addi %mul3A_2, %add3A_97 : i32
    %dma_start3A_99 = arith.constant 1 : i32
    %dma_start3A_100 = arith.constant 0 : i32
    %dma_start3A_101 = arith.constant 0 : i32
    %dma_start3A_102 = tpu.memref_slice %arg7[%dma_start3A_99, %dma_start3A_100, %dma_start3A_101] : memref<4x128x128xf32, #tpu.memory_space<vmem>> -> memref<1x128x128xf32, #tpu.memory_space<vmem>>
    %dma_start3A_103 = tpu.memref_squeeze %dma_start3A_102 : memref<1x128x128xf32, #tpu.memory_space<vmem>> -> memref<128x128xf32, #tpu.memory_space<vmem>>
    %dma_start3A_104 = arith.constant 0 : i32
    %dma_start3A_105 = tpu.memref_slice %arg4[%add3A_98, %dma_start3A_104] : memref<819200x128xf32, #tpu.memory_space<hbm>> -> memref<128x128xf32, #tpu.memory_space<hbm>>
    %dma_start3A_106 = arith.constant 0 : i32
    %dma_start3A_107 = tpu.memref_slice %arg4[%add3A_98, %dma_start3A_106] : memref<819200x128xf32, #tpu.memory_space<hbm>> -> memref<128x128xf32, #tpu.memory_space<hbm>>
    %dma_start3A_108 = arith.constant 0 : i32
    %dma_start3A_109 = arith.constant 0 : i32
    %dma_start3A_110 = tpu.memref_slice %arg7[%dma_start3A_99, %dma_start3A_108, %dma_start3A_109] : memref<4x128x128xf32, #tpu.memory_space<vmem>> -> memref<1x128x128xf32, #tpu.memory_space<vmem>>
    %dma_start3A_111 = tpu.memref_squeeze %dma_start3A_110 : memref<1x128x128xf32, #tpu.memory_space<vmem>> -> memref<128x128xf32, #tpu.memory_space<vmem>>
    tpu.enqueue_dma source(%dma_start3A_111 : memref<128x128xf32, #tpu.memory_space<vmem>>) target(%dma_start3A_107 : memref<128x128xf32, #tpu.memory_space<hbm>>) target_semaphore(%arg9 : memref<!tpu.dma_semaphore, #tpu.memory_space<semaphore_mem>>)
    %dma_wait3A_112 = arith.constant 0 : i32
    %dma_wait3A_113 = arith.constant 2 : i32
    %dma_wait3A_114 = arith.constant 0 : i32
    %dma_wait3A_115 = arith.constant 0 : i32
    %dma_wait3A_116 = tpu.memref_slice %arg7[%dma_wait3A_113, %dma_wait3A_114, %dma_wait3A_115] : memref<4x128x128xf32, #tpu.memory_space<vmem>> -> memref<1x128x128xf32, #tpu.memory_space<vmem>>
    %dma_wait3A_117 = tpu.memref_squeeze %dma_wait3A_116 : memref<1x128x128xf32, #tpu.memory_space<vmem>> -> memref<128x128xf32, #tpu.memory_space<vmem>>
    %dma_wait3A_118 = arith.constant 0 : i32
    %dma_wait3A_119 = tpu.memref_slice %arg5[%dma_wait3A_112, %dma_wait3A_118] : memref<200x128xi32, #tpu.memory_space<vmem>> -> memref<1x128xi32, #tpu.memory_space<vmem>>
    %dma_wait3A_120 = tpu.memref_squeeze %dma_wait3A_119 : memref<1x128xi32, #tpu.memory_space<vmem>> -> memref<128xi32, #tpu.memory_space<vmem>>
    %dma_wait3A_121 = arith.constant 0 : i32
    %dma_wait3A_122 = arith.constant 0 : i32
    %dma_wait3A_123 = tpu.memref_slice %arg6[%dma_wait3A_121, %dma_wait3A_122] : memref<4x128xf32, #tpu.memory_space<vmem_shared>> -> memref<4x128xf32, #tpu.memory_space<vmem_shared>>
    tpu.wait_indirect_dma semaphore(%arg8 : memref<!tpu.dma_semaphore, #tpu.memory_space<semaphore_mem>>) src(%dma_wait3A_123 : memref<4x128xf32, #tpu.memory_space<vmem_shared>>) dst(%dma_wait3A_117 : memref<128x128xf32, #tpu.memory_space<vmem>>)
    %add3A_124 = arith.constant 25344 : i32
    %add3A_125 = arith.addi %mul3A_2, %add3A_124 : i32
    %dma_start3A_126 = arith.constant 2 : i32
    %dma_start3A_127 = arith.constant 0 : i32
    %dma_start3A_128 = arith.constant 0 : i32
    %dma_start3A_129 = tpu.memref_slice %arg7[%dma_start3A_126, %dma_start3A_127, %dma_start3A_128] : memref<4x128x128xf32, #tpu.memory_space<vmem>> -> memref<1x128x128xf32, #tpu.memory_space<vmem>>
    %dma_start3A_130 = tpu.memref_squeeze %dma_start3A_129 : memref<1x128x128xf32, #tpu.memory_space<vmem>> -> memref<128x128xf32, #tpu.memory_space<vmem>>
    %dma_start3A_131 = arith.constant 0 : i32
    %dma_start3A_132 = tpu.memref_slice %arg4[%add3A_125, %dma_start3A_131] : memref<819200x128xf32, #tpu.memory_space<hbm>> -> memref<128x128xf32, #tpu.memory_space<hbm>>
    %dma_start3A_133 = arith.constant 0 : i32
    %dma_start3A_134 = tpu.memref_slice %arg4[%add3A_125, %dma_start3A_133] : memref<819200x128xf32, #tpu.memory_space<hbm>> -> memref<128x128xf32, #tpu.memory_space<hbm>>
    %dma_start3A_135 = arith.constant 0 : i32
    %dma_start3A_136 = arith.constant 0 : i32
    %dma_start3A_137 = tpu.memref_slice %arg7[%dma_start3A_126, %dma_start3A_135, %dma_start3A_136] : memref<4x128x128xf32, #tpu.memory_space<vmem>> -> memref<1x128x128xf32, #tpu.memory_space<vmem>>
    %dma_start3A_138 = tpu.memref_squeeze %dma_start3A_137 : memref<1x128x128xf32, #tpu.memory_space<vmem>> -> memref<128x128xf32, #tpu.memory_space<vmem>>
    tpu.enqueue_dma source(%dma_start3A_138 : memref<128x128xf32, #tpu.memory_space<vmem>>) target(%dma_start3A_134 : memref<128x128xf32, #tpu.memory_space<hbm>>) target_semaphore(%arg9 : memref<!tpu.dma_semaphore, #tpu.memory_space<semaphore_mem>>)
    %dma_wait3A_139 = arith.constant 0 : i32
    %dma_wait3A_140 = arith.constant 3 : i32
    %dma_wait3A_141 = arith.constant 0 : i32
    %dma_wait3A_142 = arith.constant 0 : i32
    %dma_wait3A_143 = tpu.memref_slice %arg7[%dma_wait3A_140, %dma_wait3A_141, %dma_wait3A_142] : memref<4x128x128xf32, #tpu.memory_space<vmem>> -> memref<1x128x128xf32, #tpu.memory_space<vmem>>
    %dma_wait3A_144 = tpu.memref_squeeze %dma_wait3A_143 : memref<1x128x128xf32, #tpu.memory_space<vmem>> -> memref<128x128xf32, #tpu.memory_space<vmem>>
    %dma_wait3A_145 = arith.constant 0 : i32
    %dma_wait3A_146 = tpu.memref_slice %arg5[%dma_wait3A_139, %dma_wait3A_145] : memref<200x128xi32, #tpu.memory_space<vmem>> -> memref<1x128xi32, #tpu.memory_space<vmem>>
    %dma_wait3A_147 = tpu.memref_squeeze %dma_wait3A_146 : memref<1x128xi32, #tpu.memory_space<vmem>> -> memref<128xi32, #tpu.memory_space<vmem>>
    %dma_wait3A_148 = arith.constant 0 : i32
    %dma_wait3A_149 = arith.constant 0 : i32
    %dma_wait3A_150 = tpu.memref_slice %arg6[%dma_wait3A_148, %dma_wait3A_149] : memref<4x128xf32, #tpu.memory_space<vmem_shared>> -> memref<4x128xf32, #tpu.memory_space<vmem_shared>>
    tpu.wait_indirect_dma semaphore(%arg8 : memref<!tpu.dma_semaphore, #tpu.memory_space<semaphore_mem>>) src(%dma_wait3A_150 : memref<4x128xf32, #tpu.memory_space<vmem_shared>>) dst(%dma_wait3A_144 : memref<128x128xf32, #tpu.memory_space<vmem>>)
    %add3A_151 = arith.constant 25472 : i32
    %add3A_152 = arith.addi %mul3A_2, %add3A_151 : i32
    %dma_start3A_153 = arith.constant 3 : i32
    %dma_start3A_154 = arith.constant 0 : i32
    %dma_start3A_155 = arith.constant 0 : i32
    %dma_start3A_156 = tpu.memref_slice %arg7[%dma_start3A_153, %dma_start3A_154, %dma_start3A_155] : memref<4x128x128xf32, #tpu.memory_space<vmem>> -> memref<1x128x128xf32, #tpu.memory_space<vmem>>
    %dma_start3A_157 = tpu.memref_squeeze %dma_start3A_156 : memref<1x128x128xf32, #tpu.memory_space<vmem>> -> memref<128x128xf32, #tpu.memory_space<vmem>>
    %dma_start3A_158 = arith.constant 0 : i32
    %dma_start3A_159 = tpu.memref_slice %arg4[%add3A_152, %dma_start3A_158] : memref<819200x128xf32, #tpu.memory_space<hbm>> -> memref<128x128xf32, #tpu.memory_space<hbm>>
    %dma_start3A_160 = arith.constant 0 : i32
    %dma_start3A_161 = tpu.memref_slice %arg4[%add3A_152, %dma_start3A_160] : memref<819200x128xf32, #tpu.memory_space<hbm>> -> memref<128x128xf32, #tpu.memory_space<hbm>>
    %dma_start3A_162 = arith.constant 0 : i32
    %dma_start3A_163 = arith.constant 0 : i32
    %dma_start3A_164 = tpu.memref_slice %arg7[%dma_start3A_153, %dma_start3A_162, %dma_start3A_163] : memref<4x128x128xf32, #tpu.memory_space<vmem>> -> memref<1x128x128xf32, #tpu.memory_space<vmem>>
    %dma_start3A_165 = tpu.memref_squeeze %dma_start3A_164 : memref<1x128x128xf32, #tpu.memory_space<vmem>> -> memref<128x128xf32, #tpu.memory_space<vmem>>
    tpu.enqueue_dma source(%dma_start3A_165 : memref<128x128xf32, #tpu.memory_space<vmem>>) target(%dma_start3A_161 : memref<128x128xf32, #tpu.memory_space<hbm>>) target_semaphore(%arg9 : memref<!tpu.dma_semaphore, #tpu.memory_space<semaphore_mem>>)
    %dma_wait3A_166 = arith.constant 0 : i32
    %dma_wait3A_167 = arith.constant 0 : i32
    %dma_wait3A_168 = arith.constant 0 : i32
    %dma_wait3A_169 = tpu.memref_slice %arg7[%dma_wait3A_166, %dma_wait3A_167, %dma_wait3A_168] : memref<4x128x128xf32, #tpu.memory_space<vmem>> -> memref<1x128x128xf32, #tpu.memory_space<vmem>>
    %dma_wait3A_170 = tpu.memref_squeeze %dma_wait3A_169 : memref<1x128x128xf32, #tpu.memory_space<vmem>> -> memref<128x128xf32, #tpu.memory_space<vmem>>
    %dma_wait3A_171 = arith.constant 0 : i32
    %dma_wait3A_172 = tpu.memref_slice %arg4[%mul3A_2, %dma_wait3A_171] : memref<819200x128xf32, #tpu.memory_space<hbm>> -> memref<128x128xf32, #tpu.memory_space<hbm>>
    %dma_wait3A_173 = arith.constant 0 : i32
    %dma_wait3A_174 = tpu.memref_slice %arg4[%mul3A_2, %dma_wait3A_173] : memref<819200x128xf32, #tpu.memory_space<hbm>> -> memref<128x128xf32, #tpu.memory_space<hbm>>
    %dma_wait3A_175 = arith.constant 0 : i32
    %dma_wait3A_176 = arith.constant 0 : i32
    %dma_wait3A_177 = tpu.memref_slice %arg7[%dma_wait3A_166, %dma_wait3A_175, %dma_wait3A_176] : memref<4x128x128xf32, #tpu.memory_space<vmem>> -> memref<1x128x128xf32, #tpu.memory_space<vmem>>
    %dma_wait3A_178 = tpu.memref_squeeze %dma_wait3A_177 : memref<1x128x128xf32, #tpu.memory_space<vmem>> -> memref<128x128xf32, #tpu.memory_space<vmem>>
    tpu.wait_dma2 semaphore(%arg9 : memref<!tpu.dma_semaphore, #tpu.memory_space<semaphore_mem>>) src(%dma_wait3A_178 : memref<128x128xf32, #tpu.memory_space<vmem>>) dst(%dma_wait3A_174 : memref<128x128xf32, #tpu.memory_space<hbm>>)
    %dma_wait3A_179 = arith.constant 1 : i32
    %dma_wait3A_180 = arith.constant 0 : i32
    %dma_wait3A_181 = arith.constant 0 : i32
    %dma_wait3A_182 = tpu.memref_slice %arg7[%dma_wait3A_179, %dma_wait3A_180, %dma_wait3A_181] : memref<4x128x128xf32, #tpu.memory_space<vmem>> -> memref<1x128x128xf32, #tpu.memory_space<vmem>>
    %dma_wait3A_183 = tpu.memref_squeeze %dma_wait3A_182 : memref<1x128x128xf32, #tpu.memory_space<vmem>> -> memref<128x128xf32, #tpu.memory_space<vmem>>
    %dma_wait3A_184 = arith.constant 0 : i32
    %dma_wait3A_185 = tpu.memref_slice %arg4[%mul3A_2, %dma_wait3A_184] : memref<819200x128xf32, #tpu.memory_space<hbm>> -> memref<128x128xf32, #tpu.memory_space<hbm>>
    %dma_wait3A_186 = arith.constant 0 : i32
    %dma_wait3A_187 = tpu.memref_slice %arg4[%mul3A_2, %dma_wait3A_186] : memref<819200x128xf32, #tpu.memory_space<hbm>> -> memref<128x128xf32, #tpu.memory_space<hbm>>
    %dma_wait3A_188 = arith.constant 0 : i32
    %dma_wait3A_189 = arith.constant 0 : i32
    %dma_wait3A_190 = tpu.memref_slice %arg7[%dma_wait3A_179, %dma_wait3A_188, %dma_wait3A_189] : memref<4x128x128xf32, #tpu.memory_space<vmem>> -> memref<1x128x128xf32, #tpu.memory_space<vmem>>
    %dma_wait3A_191 = tpu.memref_squeeze %dma_wait3A_190 : memref<1x128x128xf32, #tpu.memory_space<vmem>> -> memref<128x128xf32, #tpu.memory_space<vmem>>
    tpu.wait_dma2 semaphore(%arg9 : memref<!tpu.dma_semaphore, #tpu.memory_space<semaphore_mem>>) src(%dma_wait3A_191 : memref<128x128xf32, #tpu.memory_space<vmem>>) dst(%dma_wait3A_187 : memref<128x128xf32, #tpu.memory_space<hbm>>)
    %dma_wait3A_192 = arith.constant 2 : i32
    %dma_wait3A_193 = arith.constant 0 : i32
    %dma_wait3A_194 = arith.constant 0 : i32
    %dma_wait3A_195 = tpu.memref_slice %arg7[%dma_wait3A_192, %dma_wait3A_193, %dma_wait3A_194] : memref<4x128x128xf32, #tpu.memory_space<vmem>> -> memref<1x128x128xf32, #tpu.memory_space<vmem>>
    %dma_wait3A_196 = tpu.memref_squeeze %dma_wait3A_195 : memref<1x128x128xf32, #tpu.memory_space<vmem>> -> memref<128x128xf32, #tpu.memory_space<vmem>>
    %dma_wait3A_197 = arith.constant 0 : i32
    %dma_wait3A_198 = tpu.memref_slice %arg4[%mul3A_2, %dma_wait3A_197] : memref<819200x128xf32, #tpu.memory_space<hbm>> -> memref<128x128xf32, #tpu.memory_space<hbm>>
    %dma_wait3A_199 = arith.constant 0 : i32
    %dma_wait3A_200 = tpu.memref_slice %arg4[%mul3A_2, %dma_wait3A_199] : memref<819200x128xf32, #tpu.memory_space<hbm>> -> memref<128x128xf32, #tpu.memory_space<hbm>>
    %dma_wait3A_201 = arith.constant 0 : i32
    %dma_wait3A_202 = arith.constant 0 : i32
    %dma_wait3A_203 = tpu.memref_slice %arg7[%dma_wait3A_192, %dma_wait3A_201, %dma_wait3A_202] : memref<4x128x128xf32, #tpu.memory_space<vmem>> -> memref<1x128x128xf32, #tpu.memory_space<vmem>>
    %dma_wait3A_204 = tpu.memref_squeeze %dma_wait3A_203 : memref<1x128x128xf32, #tpu.memory_space<vmem>> -> memref<128x128xf32, #tpu.memory_space<vmem>>
    tpu.wait_dma2 semaphore(%arg9 : memref<!tpu.dma_semaphore, #tpu.memory_space<semaphore_mem>>) src(%dma_wait3A_204 : memref<128x128xf32, #tpu.memory_space<vmem>>) dst(%dma_wait3A_200 : memref<128x128xf32, #tpu.memory_space<hbm>>)
    %dma_wait3A_205 = arith.constant 3 : i32
    %dma_wait3A_206 = arith.constant 0 : i32
    %dma_wait3A_207 = arith.constant 0 : i32
    %dma_wait3A_208 = tpu.memref_slice %arg7[%dma_wait3A_205, %dma_wait3A_206, %dma_wait3A_207] : memref<4x128x128xf32, #tpu.memory_space<vmem>> -> memref<1x128x128xf32, #tpu.memory_space<vmem>>
    %dma_wait3A_209 = tpu.memref_squeeze %dma_wait3A_208 : memref<1x128x128xf32, #tpu.memory_space<vmem>> -> memref<128x128xf32, #tpu.memory_space<vmem>>
    %dma_wait3A_210 = arith.constant 0 : i32
    %dma_wait3A_211 = tpu.memref_slice %arg4[%mul3A_2, %dma_wait3A_210] : memref<819200x128xf32, #tpu.memory_space<hbm>> -> memref<128x128xf32, #tpu.memory_space<hbm>>
    %dma_wait3A_212 = arith.constant 0 : i32
    %dma_wait3A_213 = tpu.memref_slice %arg4[%mul3A_2, %dma_wait3A_212] : memref<819200x128xf32, #tpu.memory_space<hbm>> -> memref<128x128xf32, #tpu.memory_space<hbm>>
    %dma_wait3A_214 = arith.constant 0 : i32
    %dma_wait3A_215 = arith.constant 0 : i32
    %dma_wait3A_216 = tpu.memref_slice %arg7[%dma_wait3A_205, %dma_wait3A_214, %dma_wait3A_215] : memref<4x128x128xf32, #tpu.memory_space<vmem>> -> memref<1x128x128xf32, #tpu.memory_space<vmem>>
    %dma_wait3A_217 = tpu.memref_squeeze %dma_wait3A_216 : memref<1x128x128xf32, #tpu.memory_space<vmem>> -> memref<128x128xf32, #tpu.memory_space<vmem>>
    tpu.wait_dma2 semaphore(%arg9 : memref<!tpu.dma_semaphore, #tpu.memory_space<semaphore_mem>>) src(%dma_wait3A_217 : memref<128x128xf32, #tpu.memory_space<vmem>>) dst(%dma_wait3A_213 : memref<128x128xf32, #tpu.memory_space<hbm>>)
    return
  }
}

</mosaic_0001>

<sc_bundles>
// kernel: kernel.3.cloned.1.call-start
scs
__scs_entry_jumppad:
0x0: {  	(pc) =	sbr.rel $0x88, $3  }
0x1: {  	(tag) =	ssettag $0x0;
	lr =	simm.s32 $0x1  }
0x2: {  	[smem:$0x3F9F] =	sst lr;
	_ =	strace $0xD0000000  }
0x3: {  	_ = 	snop  }
0x4: {  	_ = 	snop  }
0x5: {  	_ = 	snop  }
0x6: {  	_ = 	snop  }
0x7: {  	_ = 	snop  }
__scs_overlays_trampoline_lowered:
0x8: {  	[smem:$0x3FAE] =	sst s0  }
0x9: {  	[smem:$0x3FAF] =	sst s1  }
0xa: {  	[smem:$0x3FB0] =	sst s2  }
0xb: {  	[smem:$0x3FB1] =	sst s3  }
0xc: {  	[smem:$0x3FB2] =	sst s4  }
0xd: {  	[smem:$0x3FB3] =	sst s5  }
0xe: {  	[smem:$0x3FB4] =	sst s6  }
0xf: {  	[smem:$0x3FB5] =	sst s7  }
0x10: {  	[smem:$0x3FB6] =	sst s8  }
0x11: {  	[smem:$0x3FB7] =	sst s9;
	s0 =	simm.s32 @!p0 $0x0  }
0x12: {  	s1 =	sld [smem:$0x3F9D];
	s0 =	simm.s32 @p0 $0x1  }
0x13: {  	[smem:$0x3FB8] =	sst s0;
	s0 =	simm.s32 @!p1 $0x0  }
0x14: {  	s2 =	sld [smem:$0x3F9C];
	s0 =	simm.s32 @p1 $0x1  }
0x15: {  	[smem:$0x3FB9] =	sst s0;
	s0 =	simm.s32 @!p2 $0x0  }
0x16: {  	s3 =	sld [smem:$0x3FDB];
	s0 =	simm.s32 @p2 $0x1  }
0x17: {  	s4 =	simm.s32 $0x1BF5;
	[smem:$0x3FBB] =	sst s0  }
0x18: {  	s0 =	sld [smem:$0x3F9E];
	_ =	swait.ge [sflag:s4], $0x0  }
0x19: {  	s7 =	sld [smem:$0x3F9F]  }
0x1a: {  	s8 =	sadd.s32 $0xFFFFE003, lr  }
0x1b: {  	s9 =	sadd.s32 $0xFFFFFEF7, lr;
	s5 =	simm.s32 $0xFFFFFFFF;
	p2 =	slt.u32 s8, $0xFFFFF086  }
0x1c: {  	p1 =	slt.u32 s9, $0xF7A;
	s5 =	simm.s32 @!p2 $0x0  }
0x1d: {  	s5 =	simm.s32 @p1 $0x1;
	p0 =	seq.s32 s7, s2  }
0x1e: {  	s7 =	smul.u32 @!p0 $0xF7A, s2;
	p2 =	seq.s32 @!p0 s5, $0x0  }
0x1f: {  	s9 =	smul.u32 $0xF7A, s1;
	s8 =	simm.s32 @!p0 $0x1BF5;
	p2 =	por !p2, p0  }
0x20: {  	[sflag:s8] =	ssyncset.s32 @!p0 $0xFFFFF086;
	s6 =	sadd.s32 @!p0 s3, s7;
	s7 =	simm.s32 @!p0 $0x108  }
0x21: {  	s3 =	sadd.s32 s3, s9;
	s6 =	sadd.s32 @!p0 $0x88, s6;
	s7 =	simm.s32 @p2 $0x1082  }
0x22: {  	[simem:s7], [sflag:s8] =	dma.local @!p0 [hbm:s6], $0xF7A  }
0x23: {  	s9 =	sor.u32 $0xD0000000, s2;
	s6 =	simm.s32 $0x108;
	_ =	swait.ge @!p0 [sflag:s8], $0x0  }
0x24: {  	s3 =	sadd.s32 $0x88, s3;
	s6 =	simm.s32 @!p1 $0x1082;
	[sflag:s4] =	ssyncset.s32 $0xFFFFF086  }
0x25: {  	[simem:s6], [sflag:s4] =	dma.local [hbm:s3], $0xF7A  }
0x26: {  	[smem:$0x3F9F] =	sst s1;
	(tag) =	ssettag s2;
	_ =	strace s9  }
0x27: {  	s1 =	sld [smem:$0x3FAF]  }
0x28: {  	s2 =	sld [smem:$0x3FB0]  }
0x29: {  	s4 =	sld [smem:$0x3FB2]  }
0x2a: {  	p0 =	seq.s32 s5, $0x0;
	s5 =	sld [smem:$0x3FB3]  }
0x2b: {  	s6 =	sld [smem:$0x3FB4]  }
0x2c: {  	s7 =	sld [smem:$0x3FB5]  }
0x2d: {  	s3 =	simm.s32 $0x108;
	s8 =	sld [smem:$0x3FB6]  }
0x2e: {  	s3 =	simm.s32 @!p0 $0x1082;
	s9 =	sld [smem:$0x3FB7]  }
0x2f: {  	lr =	sadd.s32 s0, s3;
	s0 =	sld [smem:$0x3FAE]  }
0x30: {  	s3 =	sld [smem:$0x3FB1]  }
0x31: {  	[smem:$0x3FBA] =	sst s10  }
0x32: {  	s10 =	sld [smem:$0x3FB8];
	_ =	sdelay $0x3  }
0x33: {  	p0 =	seq.s32 s10, $0x1;
	s10 =	sld [smem:$0x3FBA];
	_ =	sdelay $0x3  }
0x34: {  	[smem:$0x3FBA] =	sst s10  }
0x35: {  	s10 =	sld [smem:$0x3FB9];
	_ =	sdelay $0x3  }
0x36: {  	p1 =	seq.s32 s10, $0x1;
	s10 =	sld [smem:$0x3FBA];
	_ =	sdelay $0x3  }
0x37: {  	[smem:$0x3FBA] =	sst s10  }
0x38: {  	s10 =	sld [smem:$0x3FBB]  }
0x39: {  	_ = 	snop;
	(pc) =	sbr.ind lr, $3  }
0x3a: {  	_ = 	snop  }
0x3b: {  	_ = 	snop  }
0x3c: {  	p2 =	seq.s32 s10, $0x1;
	s10 =	sld [smem:$0x3FBA]  }
0x3d: {  	_ =	shalt  }
0x3e: {  	_ =	shalt  }
0x3f: {  	_ =	shalt  }
0x40: {  	_ =	shalt  }
0x41: {  	_ =	shalt  }
0x42: {  	_ =	shalt  }
0x43: {  	_ =	shalt  }
0x44: {  	_ =	shalt  }
0x45: {  	_ =	shalt  }
0x46: {  	_ =	shalt  }
0x47: {  	_ =	shalt  }
0x48: {  	_ =	shalt  }
0x49: {  	_ =	shalt  }
0x4a: {  	_ =	shalt  }
0x4b: {  	_ =	shalt  }
0x4c: {  	_ =	shalt  }
0x4d: {  	_ =	shalt  }
0x4e: {  	_ =	shalt  }
0x4f: {  	_ =	shalt  }
0x50: {  	_ =	shalt  }
0x51: {  	_ =	shalt  }
0x52: {  	_ =	shalt  }
0x53: {  	_ =	shalt  }
0x54: {  	_ =	shalt  }
0x55: {  	_ =	shalt  }
0x56: {  	_ =	shalt  }
0x57: {  	_ =	shalt  }
0x58: {  	_ =	shalt  }
0x59: {  	_ =	shalt  }
0x5a: {  	_ =	shalt  }
0x5b: {  	_ =	shalt  }
0x5c: {  	_ =	shalt  }
0x5d: {  	_ =	shalt  }
0x5e: {  	_ =	shalt  }
0x5f: {  	_ =	shalt  }
0x60: {  	_ =	shalt  }
0x61: {  	_ =	shalt  }
0x62: {  	_ =	shalt  }
0x63: {  	_ =	shalt  }
0x64: {  	_ =	shalt  }
0x65: {  	_ =	shalt  }
0x66: {  	_ =	shalt  }
0x67: {  	_ =	shalt  }
0x68: {  	_ =	shalt  }
0x69: {  	_ =	shalt  }
0x6a: {  	_ =	shalt  }
0x6b: {  	_ =	shalt  }
0x6c: {  	_ =	shalt  }
0x6d: {  	_ =	shalt  }
0x6e: {  	_ =	shalt  }
0x6f: {  	_ =	shalt  }
0x70: {  	_ =	shalt  }
0x71: {  	_ =	shalt  }
0x72: {  	_ =	shalt  }
0x73: {  	_ =	shalt  }
0x74: {  	_ =	shalt  }
0x75: {  	_ =	shalt  }
0x76: {  	_ =	shalt  }
0x77: {  	_ =	shalt  }
0x78: {  	_ =	shalt  }
0x79: {  	_ =	shalt  }
0x7a: {  	_ =	shalt  }
0x7b: {  	_ =	shalt  }
0x7c: {  	_ =	shalt  }
0x7d: {  	_ =	shalt  }
0x7e: {  	_ =	shalt  }
0x7f: {  	_ =	shalt  }
0x80: {  	_ =	shalt  }
0x81: {  	_ =	shalt  }
0x82: {  	_ =	shalt  }
0x83: {  	_ =	shalt  }
0x84: {  	_ =	shalt  }
0x85: {  	_ =	shalt  }
0x86: {  	_ =	shalt  }
0x87: {  	_ =	shalt  }
.Lfunc_end0:
.L_simem_size_0:
called_computation_lowered:
.L_overlay_start_0:
0x88: {  	s2 =	sld [smem:$0x3FD9]  }
0x89: {  	s3 =	sld [smem:$0x3FFE];
	_ =	sdelay $0x1  }
0x8a: {  	s1 =	srdreg.scid  }
0x8b: {  	s0 =	sand.u32 $0x1, s1  }
0x8c: {  	s17 =	sshll.u32 s0, $0xA;
	s2 =	sadd.s32 s3, s2  }
0x8d: {  	s2 =	sadd.s32 s2, s17  }
0x8e: {  	[smem:$0x3FC6] =	sst s2  }
0x8f: {  	_ = 	snop  }
0x90: {  	s2 =	sld [smem:$0x3FC8]  }
0x91: {  	s18 =	sld [smem:$0x3FD0];
	(tm) =	ssettm $0x1  }
0x92: {  	s4 =	sld [smem:$0x3FFB];
	_ =	sdelay $0x3  }
0x93: {  	_ =	strace s4  }
0x94: {  	s4 =	sld [smem:$0x3FFC];
	_ =	sdelay $0x3  }
0x95: {  	_ =	strace s4  }
0x96: {  	s4 =	sld [smem:$0x3FFD];
	_ =	sdelay $0x3  }
0x97: {  	_ =	strace s4  }
0x98: {  	_ =	strace $0x8FFFFFFF  }
0x99: {  	s19 =	sld [smem:$0x3FDB];
	_ =	sdelay $0x1  }
0x9a: {  	s5 =	simm.s32 $_scs_section_size  }
0x9b: {  	s6 =	simm.s32 $_size__tile_overlayer_lowered;
	s7 =	simm.s32 $_tile_overlayer_lowered  }
0x9c: {  	s22 =	simm.s32 $0x1BFF;
	s21 =	sshll.u32 s7, $0x1;
	s4 =	sadd.s32 s5, s19  }
0x9d: {  	s8 =	simm.s32 $0x0;
	s20 =	sshll.u32 s6, $0x1;
	s6 =	sadd.s32 s21, s4  }
0x9e: {  	[timem:s8], [sflag:s22] =	dma.local [hbm:s6], s20  }
0x9f: {  	_ =	swait.ge [sflag:s22], s20  }
0xa0: {  	s5 =	ssub.s32 $0x0, s20;
	[sflag:s22] =	ssyncset.done $0x0  }
0xa1: {  	[sflag:s22] =	ssyncadd.s32 s5;
	_ =	sdelay $0x1  }
0xa2: {  	s23 =	simm.s32 $0x1B8B  }
0xa3: {  	_ =	swait.ge [sflag:s23], $0x1  }
0xa4: {  	[sflag:s23] =	ssyncset.done $0x0  }
0xa5: {  	s25 =	simm.s32 $0x1B8E;
	s24 =	sld [smem:$0x3FFE];
	[sflag:s23] =	ssyncadd.s32 $0xFFFFFFFF  }
0xa6: {  	s26 =	simm.s32 $execute0_lowered;
	[smem:$0x3FD2] =	sst s25  }
0xa7: {  	s6 =	sshll.u32 s26, $0x1;
	_ =	strace $0x80000046;
	[dreg:$0x1] =	wrdreg $0xFFFFFFFF  }
0xa8: {  	s28 =	simm.s32 $_size_execute0_lowered;
	s4 =	sadd.s32 s4, s6;
	[dreg:$0x0] =	wrdreg $0x0  }
0xa9: {  	s6 =	sshll.u32 s28, $0x1;
	[dreg:$0x2] =	wrdreg s4  }
0xaa: {  	[dreg:$0x3] =	wrdreg s6  }
0xab: {  	[dreg:$0x4] =	wrdreg $0xC0  }
0xac: {  	_ =	task [dreg:s8], $0x5FFFF  }
0xad: {  	[dreg:$0x1] =	wrdreg $0xFFFFFFFF  }
0xae: {  	[dreg:$0x0] =	wrdreg $0x60  }
0xaf: {  	[dreg:$0x2] =	wrdreg s24  }
0xb0: {  	[dreg:$0x3] =	wrdreg s2  }
0xb1: {  	[dreg:$0x4] =	wrdreg s18  }
0xb2: {  	[dreg:$0x5] =	wrdreg $0x64000  }
0xb3: {  	[dreg:$0x6] =	wrdreg $0x9  }
0xb4: {  	_ =	task.clear_ibuf [dreg:s8], $0x7FFFF;
	_ =	strace $0x90000046  }
0xb5: {  	s29 =	simm.s32 $0x9;
	_ =	strace $0x80000048  }
0xb6: {  	_ =	swait.ge [sflag:s29], $0x1  }
0xb7: {  	[sflag:s29] =	ssyncadd.s32 $0xFFFFFFFF  }
0xb8: {  	_ =	strace $0x90000048  }
0xb9: {  	_ =	sfence  }
0xba: {  	s30 =	sld [smem:$0x0];
	_ =	sdelay $0x2  }
0xbb: {  	s31 =	sshll.u32 s1, $0xD;
	s1 =	sshrl.u32 s1, $0x2  }
0xbc: {  	s3 =	sand.u32 $0x4000, s31;
	s1 =	sadd.s32 s1, s30  }
0xbd: {  	s0 =	sor.u32 s3, s0;
	s1 =	sshll.u32 s1, $0x11  }
0xbe: {  	s0 =	sor.u32 s1, s0  }
0xbf: {  	s0 =	sadd.s32 $0x8F2B, s0  }
0xc0: {  	[sflag:s0] =	ssyncadd.remote.s32 $0x1  }
0xc1: {  	_ =	sfence.sel $0xFFFF  }
0xc2: {  	[dreg:$0x0] =	wrdreg $0xFFFFFFFF;
	(pc) =	sbr.abs _section_cstart, $3  }
0xc3: {  	[dreg:$0x1] =	wrdreg $0xFFFFFFFF  }
0xc4: {  	_ =	task.clear_ibuf [dreg:s8], $0x2FFFF;
	_ =	strace $0x9FFFFFFF  }
0xc5: {  	(tm) =	ssettm $0x7FFFFFFF  }
tec
execute0_lowered:
.L_overlay_start_1:
0x0: {  	(tag) =	ssettag $0x1  }
0x1: {  	s4 =	rddreg [dreg:$0x0]  }
0x2: {  	s0 =	rddreg [dreg:$0x1]  }
0x3: {  	s1 =	srdreg.scid;
	s10 =	rddreg [dreg:$0x2]  }
0x4: {  	s12 =	stileid.u32;
	s2 =	rddreg [dreg:$0x3];
	s3 =	simm.s32 $0x0  }
0x5: {  	s16 =	simm.s32 $0xA420;
	s17 =	simm.s32 $0x100;
	s18 =	simm.s32 $0xE420  }
0x6: {  	s19 =	simm.s32 $0x180;
	s20 =	simm.s32 $0x12420;
	s21 =	simm.s32 $0x1  }
0x7: {  	s22 =	simm.s32 $0x2;
	s23 =	simm.s32 $0x0;
	s13 =	smul.u32 $0x640000, s12  }
0x8: {  	s9 =	sand.u32 $0x1, s1;
	s1 =	rddreg [dreg:$0x4];
	s15 =	smul.u32 $0xC8000, s12  }
0x9: {  	s26 =	sshll.u32 s12, $0x1;
	[smem:$0x7FF] =	sst s3;
	s14 =	smul.u32 $0x320000, s9  }
0xa: {  	p0 =	sne.s32 s12, $0x0;
	s5 =	sor.u32 s9, s26;
	s29 =	smul.u32 $0x64000, s9  }
0xb: {  	s12 =	simm.s32 $0x3;
	s7 =	ssub.s32 $0x2, s9;
	s6 =	smul.u32 $0xC80, s5  }
0xc: {  	_ =	strace $0x80000047;
	s5 =	smul.u32 $0x320000, s5;
	s28 =	sshrl.u32 s7, $0x1  }
0xd: {  	s31 =	sadd.s32 s15, s10;
	s15 =	simm.s32 $0x6420;
	s11 =	ssub.s32 s7, s28  }
0xe: {  	s13 =	sadd.s32 s14, s13;
	s14 =	simm.s32 $0x80;
	s4 =	sadd.s32 s6, s4  }
0xf: {  	s5 =	sshrl.u32 s5, $0x3;
	s9 =	smax.u32 s11, $0x1;
	s30 =	sshrl.u32 s13, $0x3  }
0x10: {  	s11 =	sadd.s32 s29, s31;
	s13 =	sshrl.u32 @!p0 s2, $0x3;
	s8 =	sadd.s32 s10, s5  }
0x11: {  	s4 =	sadd.s32 $0x400, s4;
	s10 =	sadd.s32 s30, s10;
	s5 =	sadd.s32 $0x62000, s8  }
0x12: {  	s6 =	sadd.s32 $0x62800, s8;
	s7 =	sadd.s32 $0x63000, s8;
	s8 =	sadd.s32 $0x63800, s8  }
.LBB2_1:
0x13: {  	[tilespmem:s3], [sflag:$0x3] =	stream.linear.gather [hbm4b:s4+s3], $0x6400, $0x38;
	[tilespmem:$0x16420] =	vst v63  }
0x14: {  	_ =	swait.ge [sflag:s12], $0x6400  }
0x15: {  	[sflag:s12] =	ssyncset.done $0x0  }
0x16: {  	s24 =	simm.s32 @!p0 $0x1C03;
	[sflag:s12] =	ssyncadd.s32 $0xFFFF9C00  }
0x17: {  	[spmem:s13], [sflag:s24] =	dma.local @!p0 [hbm:s0], $0x40  }
0x18: {  	s24 =	simm.s32 @!p0 $0x3  }
0x19: {  	_ =	swait.ge @!p0 [sflag:s24], $0x40  }
0x1a: {  	[sflag:s24] =	ssyncset.done @!p0 $0x0  }
0x1b: {  	[sflag:s24] =	ssyncadd.s32 @!p0 $0xFFFFFFC0  }
0x1c: {  	[bflag:$0x0] =	sbarrier.arrive $0xFFFF  }
0x1d: {  	[tilespmem:s15], [sflag:$0x1] =	stream.indirect.gather [spmem:s2], $0x80, s3, s14, $0xb8;
	[tilespmem:$0x16420] =	vst v63  }
0x1e: {  	_ = 	snop  }
0x1f: {  	[tilespmem:s16], [sflag:$0x1] =	stream.indirect.gather [spmem:s2], $0x80, s14, s14, $0xb8;
	[tilespmem:$0x16420] =	vst v63  }
0x20: {  	_ = 	snop  }
0x21: {  	[tilespmem:s18], [sflag:$0x1] =	stream.indirect.gather [spmem:s2], $0x80, s17, s14, $0xb8;
	[tilespmem:$0x16420] =	vst v63  }
0x22: {  	_ = 	snop  }
0x23: {  	[tilespmem:s20], [sflag:$0x1] =	stream.indirect.gather [spmem:s2], $0x80, s19, s14, $0xb8;
	[tilespmem:$0x16420] =	vst v63  }
0x24: {  	_ =	swait.ge [sflag:s21], $0x4000  }
0x25: {  	[sflag:s21] =	ssyncset.done $0x0  }
0x26: {  	s25 =	sadd.s32 $0x0, s10;
	[sflag:s21] =	ssyncadd.s32 $0xFFFFC000  }
0x27: {  	[hbm4b:s25+s3] =	stream.linear.scatter [tilespmem:s15], [sflag:$0x2], $0x4000, $0x38;
	[tilespmem:$0x16420] =	vst v63  }
0x28: {  	_ =	swait.ge [sflag:s22], $0x4000  }
0x29: {  	[sflag:s22] =	ssyncset.done $0x0  }
0x2a: {  	s26 =	simm.s32 $0x200;
	[sflag:s22] =	ssyncadd.s32 $0xFFFFC000  }
0x2b: {  	[tilespmem:s15], [sflag:$0x1] =	stream.indirect.gather [spmem:s2], $0x80, s26, s14, $0xb8;
	[tilespmem:$0x16420] =	vst v63  }
0x2c: {  	_ =	swait.ge [sflag:s21], $0x4000  }
0x2d: {  	s28 =	sadd.s32 $0x0, s11;
	[sflag:s21] =	ssyncset.done $0x0  }
0x2e: {  	s25 =	sadd.s32 $0x800, s28;
	[sflag:s21] =	ssyncadd.s32 $0xFFFFC000  }
0x2f: {  	[hbm4b:s25+s3] =	stream.linear.scatter [tilespmem:s16], [sflag:$0x2], $0x4000, $0x38;
	[tilespmem:$0x16420] =	vst v63  }
0x30: {  	_ =	swait.ge [sflag:s22], $0x4000  }
0x31: {  	[sflag:s22] =	ssyncset.done $0x0  }
0x32: {  	s29 =	simm.s32 $0x280;
	[sflag:s22] =	ssyncadd.s32 $0xFFFFC000  }
0x33: {  	[tilespmem:s16], [sflag:$0x1] =	stream.indirect.gather [spmem:s2], $0x80, s29, s14, $0xb8;
	[tilespmem:$0x16420] =	vst v63  }
0x34: {  	_ =	swait.ge [sflag:s21], $0x4000  }
0x35: {  	[sflag:s21] =	ssyncset.done $0x0  }
0x36: {  	s30 =	sadd.s32 $0x1000, s28;
	[sflag:s21] =	ssyncadd.s32 $0xFFFFC000  }
0x37: {  	[hbm4b:s30+s3] =	stream.linear.scatter [tilespmem:s18], [sflag:$0x2], $0x4000, $0x38;
	[tilespmem:$0x16420] =	vst v63  }
0x38: {  	_ =	swait.ge [sflag:s22], $0x4000  }
0x39: {  	[sflag:s22] =	ssyncset.done $0x0  }
0x3a: {  	s31 =	simm.s32 $0x300;
	[sflag:s22] =	ssyncadd.s32 $0xFFFFC000  }
0x3b: {  	[tilespmem:s18], [sflag:$0x1] =	stream.indirect.gather [spmem:s2], $0x80, s31, s14, $0xb8;
	[tilespmem:$0x16420] =	vst v63  }
0x3c: {  	_ =	swait.ge [sflag:s21], $0x4000  }
0x3d: {  	[sflag:s21] =	ssyncset.done $0x0  }
0x3e: {  	s24 =	sadd.s32 $0x1800, s28;
	[sflag:s21] =	ssyncadd.s32 $0xFFFFC000  }
0x3f: {  	[hbm4b:s24+s3] =	stream.linear.scatter [tilespmem:s20], [sflag:$0x2], $0x4000, $0x38;
	[tilespmem:$0x16420] =	vst v63  }
0x40: {  	_ =	swait.ge [sflag:s22], $0x4000  }
0x41: {  	s26 =	simm.s32 $0x580;
	[sflag:s22] =	ssyncset.done $0x0  }
0x42: {  	s25 =	simm.s32 $0x2000;
	s24 =	simm.s32 $0x380;
	[sflag:s22] =	ssyncadd.s32 $0xFFFFC000  }
.LBB2_2:
0x43: {  	[tilespmem:s20], [sflag:$0x1] =	stream.indirect.gather [spmem:s2], $0x80, s24, s14, $0xb8;
	[tilespmem:$0x16420] =	vst v63  }
0x44: {  	s28 =	smov.u32 s25;
	s24 =	smov.u32 s26  }
0x45: {  	p1 =	sne.s32 s25, $0x60000;
	s25 =	sadd.s32 $0x2000, s25;
	_ =	swait.ge [sflag:s21], $0x4000  }
0x46: {  	[sflag:s21] =	ssyncset.done $0x0  }
0x47: {  	s29 =	sadd.s32 s28, s10;
	[sflag:s21] =	ssyncadd.s32 $0xFFFFC000  }
0x48: {  	[hbm4b:s29+s3] =	stream.linear.scatter [tilespmem:s15], [sflag:$0x2], $0x4000, $0x38;
	[tilespmem:$0x16420] =	vst v63  }
0x49: {  	_ =	swait.ge [sflag:s22], $0x4000  }
0x4a: {  	[sflag:s22] =	ssyncset.done $0x0  }
0x4b: {  	s29 =	sadd.s32 $0xFFFFFE80, s26;
	[sflag:s22] =	ssyncadd.s32 $0xFFFFC000  }
0x4c: {  	[tilespmem:s15], [sflag:$0x1] =	stream.indirect.gather [spmem:s2], $0x80, s29, s14, $0xb8;
	[tilespmem:$0x16420] =	vst v63  }
0x4d: {  	_ =	swait.ge [sflag:s21], $0x4000  }
0x4e: {  	s28 =	sadd.s32 s28, s11;
	[sflag:s21] =	ssyncset.done $0x0  }
0x4f: {  	s29 =	sadd.s32 $0x800, s28;
	[sflag:s21] =	ssyncadd.s32 $0xFFFFC000  }
0x50: {  	[hbm4b:s29+s3] =	stream.linear.scatter [tilespmem:s16], [sflag:$0x2], $0x4000, $0x38;
	[tilespmem:$0x16420] =	vst v63  }
0x51: {  	_ =	swait.ge [sflag:s22], $0x4000  }
0x52: {  	[sflag:s22] =	ssyncset.done $0x0  }
0x53: {  	s29 =	sadd.s32 $0xFFFFFF00, s26;
	[sflag:s22] =	ssyncadd.s32 $0xFFFFC000  }
0x54: {  	[tilespmem:s16], [sflag:$0x1] =	stream.indirect.gather [spmem:s2], $0x80, s29, s14, $0xb8;
	[tilespmem:$0x16420] =	vst v63  }
0x55: {  	_ =	swait.ge [sflag:s21], $0x4000  }
0x56: {  	[sflag:s21] =	ssyncset.done $0x0  }
0x57: {  	s29 =	sadd.s32 $0x1000, s28;
	[sflag:s21] =	ssyncadd.s32 $0xFFFFC000  }
0x58: {  	[hbm4b:s29+s3] =	stream.linear.scatter [tilespmem:s18], [sflag:$0x2], $0x4000, $0x38;
	[tilespmem:$0x16420] =	vst v63  }
0x59: {  	_ =	swait.ge [sflag:s22], $0x4000  }
0x5a: {  	[sflag:s22] =	ssyncset.done $0x0  }
0x5b: {  	s29 =	sadd.s32 $0xFFFFFF80, s26;
	[sflag:s22] =	ssyncadd.s32 $0xFFFFC000  }
0x5c: {  	[tilespmem:s18], [sflag:$0x1] =	stream.indirect.gather [spmem:s2], $0x80, s29, s14, $0xb8;
	[tilespmem:$0x16420] =	vst v63  }
0x5d: {  	_ =	swait.ge [sflag:s21], $0x4000  }
0x5e: {  	[sflag:s21] =	ssyncset.done $0x0  }
.Ltmp0:
0x5f: {  	s28 =	sadd.s32 $0x1800, s28;
	[sflag:s21] =	ssyncadd.s32 $0xFFFFC000;
	(pc) =	sbr.rel @p1 .LBB2_2-.Ltmp0, $4  }
0x60: {  	[hbm4b:s28+s3] =	stream.linear.scatter [tilespmem:s20], [sflag:$0x2], $0x4000, $0x38;
	[tilespmem:$0x16420] =	vst v63  }
0x61: {  	_ =	swait.ge [sflag:s22], $0x4000  }
0x62: {  	[sflag:s22] =	ssyncset.done $0x0  }
0x63: {  	s26 =	sadd.s32 $0x200, s26;
	[sflag:s22] =	ssyncadd.s32 $0xFFFFC000  }
0x64: {  	[tilespmem:s20], [sflag:$0x1] =	stream.indirect.gather [spmem:s2], $0x80, s24, s14, $0xb8;
	[tilespmem:$0x16420] =	vst v63  }
0x65: {  	_ =	swait.ge [sflag:s21], $0x4000  }
0x66: {  	[sflag:s21] =	ssyncset.done $0x0  }
0x67: {  	[sflag:s21] =	ssyncadd.s32 $0xFFFFC000  }
0x68: {  	[hbm4b:s5+s3] =	stream.linear.scatter [tilespmem:s15], [sflag:$0x2], $0x4000, $0x38;
	[tilespmem:$0x16420] =	vst v63  }
0x69: {  	_ =	swait.ge [sflag:s21], $0x4000  }
0x6a: {  	[sflag:s21] =	ssyncset.done $0x0  }
0x6b: {  	[sflag:s21] =	ssyncadd.s32 $0xFFFFC000  }
0x6c: {  	[hbm4b:s6+s3] =	stream.linear.scatter [tilespmem:s16], [sflag:$0x2], $0x4000, $0x38;
	[tilespmem:$0x16420] =	vst v63  }
0x6d: {  	_ =	swait.ge [sflag:s21], $0x4000  }
0x6e: {  	[sflag:s21] =	ssyncset.done $0x0  }
0x6f: {  	[sflag:s21] =	ssyncadd.s32 $0xFFFFC000  }
0x70: {  	[hbm4b:s7+s3] =	stream.linear.scatter [tilespmem:s18], [sflag:$0x2], $0x4000, $0x38;
	[tilespmem:$0x16420] =	vst v63  }
0x71: {  	_ =	swait.ge [sflag:s21], $0x4000  }
0x72: {  	[sflag:s21] =	ssyncset.done $0x0  }
0x73: {  	[sflag:s21] =	ssyncadd.s32 $0xFFFFC000  }
0x74: {  	[hbm4b:s8+s3] =	stream.linear.scatter [tilespmem:s20], [sflag:$0x2], $0x4000, $0x38;
	[tilespmem:$0x16420] =	vst v63  }
0x75: {  	_ =	swait.ge [sflag:s22], $0x4000  }
0x76: {  	[sflag:s22] =	ssyncset.done $0x0  }
0x77: {  	[sflag:s22] =	ssyncadd.s32 $0xFFFFC000  }
0x78: {  	_ =	swait.ge [sflag:s22], $0x4000  }
0x79: {  	[sflag:s22] =	ssyncset.done $0x0  }
0x7a: {  	s23 =	sadd.s32 $0x1, s23;
	[sflag:s22] =	ssyncadd.s32 $0xFFFFC000  }
0x7b: {  	p1 =	sne.s32 s23, s9;
	_ =	swait.ge [sflag:s22], $0x4000  }
.Ltmp1:
0x7c: {  	[sflag:s22] =	ssyncset.done $0x0;
	(pc) =	sbr.rel @p1 .LBB2_1-.Ltmp1, $4  }
0x7d: {  	[sflag:s22] =	ssyncadd.s32 $0xFFFFC000  }
0x7e: {  	_ =	swait.ge [sflag:s22], $0x4000  }
0x7f: {  	[sflag:s22] =	ssyncset.done $0x0  }
0x80: {  	[sflag:s22] =	ssyncadd.s32 $0xFFFFC000  }
0x81: {  	_ =	sfence.sel $0x180000  }
0x82: {  	[bflag:$0x0] =	sbarrier.arrive $0xFFFF  }
0x83: {  	_ =	strace $0x90000047  }
0x84: {  	s0 =	sadd.s32 @!p0 $0x100000, s1;
	[bflag:$0x2] =	sbarrier.arrive $0xFFFF  }
0x85: {  	[sflag:s0] =	ssyncadd.tile.s32 @!p0 $0x1;
	_ =	shalt  }
.Lfunc_end2:
_tile_overlayer_lowered:
.L_overlay_start_2:
0x86: {  	(tag) =	ssettag $0x2  }
0x87: {  	s0 =	rddreg [dreg:$0x0];
	s2 =	stileid.u32  }
0x88: {  	s1 =	rddreg [dreg:$0x1];
	p0 =	sne.s32 s2, $0x0  }
0x89: {  	s3 =	rddreg [dreg:$0x2];
	[bflag:$0x3] =	sbarrier.arrive $0xFFFF;
	s2 =	simm.s32 @!p0 $0x1C03  }
0x8a: {  	[timem:s3], [sflag:s2] =	dma.local @!p0 [hbm:s0], s1  }
0x8b: {  	s0 =	simm.s32 @!p0 $0x3  }
0x8c: {  	_ =	swait.ge @!p0 [sflag:s0], s1  }
0x8d: {  	s1 =	ssub.s32 @!p0 $0x0, s1;
	[sflag:s0] =	ssyncset.done @!p0 $0x0  }
0x8e: {  	[sflag:s0] =	ssyncadd.s32 @!p0 s1  }
0x8f: {  	[bflag:$0x3] =	sbarrier.arrive $0xFFFF  }
0x90: {  	_ =	shalt  }

</sc_bundles>
